<compile_context>
chip_gen: v7x
topology: tpu7x:2x2x1
jax: 0.10.2.dev20260603
libtpu: 0.0.44.dev20260713+nightly
codegen_flags: <defaults>
</compile_context>

<pallas_src>
import functools

import jax
import jax.numpy as jnp
import numpy as np
from jax import lax
from jax.experimental import pallas as pl
from jax.experimental.pallas import tpu as pltpu
from jax.experimental.pallas import tpu_sc as plsc

N = 8192
D = 256
K = 8192
BN = 2048
BK = 2048
_BKB = 11
COMMITMENT_COST = 0.25
ENTROPY_WEIGHT = 0.1

_NC = 2
_NS = 16
_NW = _NC * _NS
_BPW = N // _NW


def _bits(x):
    return lax.bitcast_convert_type(x, jnp.int32)


def _flt(i):
    return lax.bitcast_convert_type(i, jnp.float32)


def _rev(x):
    r = jnp.zeros_like(x)
    for b in range(_BKB):
        r = r | (((x >> b) & 1) << (_BKB - 1 - b))
    return r


def _argmin_body(z_ref, w_ref, w2_ref, z2_ref, idx_ref):
    z = z_ref[...]
    z2 = z2_ref[...]
    pos = lax.broadcasted_iota(jnp.int32, (BK // 2, BN), 0)
    orig = _rev(pos)
    origp1 = orig + 1

    def step(kb, carry):
        sv, mi = carry
        wb = w_ref[pl.ds(kb * BK, BK), :]
        m = lax.dot_general(wb, z, (((1,), (1,)), ((), ())),
                            preferred_element_type=jnp.float32)
        w2b = w2_ref[pl.ds(kb * BK, BK), :]
        d2 = (z2 + w2b) - 2.0 * m
        dist = jnp.sqrt(jnp.maximum(d2, 0.0))
        h = BK // 2
        c = dist[:h] <= dist[h:]
        tv = jnp.where(c, dist[:h], dist[h:])
        ti = jnp.where(c, orig, origp1)
        while tv.shape[0] > 8:
            h = tv.shape[0] // 2
            c = tv[:h] <= tv[h:]
            tv = jnp.where(c, tv[:h], tv[h:])
            ti = jnp.where(c, ti[:h], ti[h:])
        s = jnp.min(tv, axis=0, keepdims=True)
        bidx = jnp.min(jnp.where(tv == s, ti, K), axis=0,
                       keepdims=True) + kb * BK
        upd = s < sv
        return jnp.where(upd, s, sv), jnp.where(upd, bidx, mi)

    sv0 = jnp.full((1, BN), jnp.inf, jnp.float32)
    mi0 = jnp.zeros((1, BN), jnp.int32)
    _, mi = lax.fori_loop(0, K // BK, step, (sv0, mi0))
    idx_ref[...] = mi


_argmin_call = pl.pallas_call(
    _argmin_body,
    grid=(N // BN,),
    in_specs=[
        pl.BlockSpec((BN, D), lambda i: (i, 0)),
        pl.BlockSpec((K, D), lambda i: (0, 0)),
        pl.BlockSpec((K, 1), lambda i: (0, 0)),
        pl.BlockSpec((1, BN), lambda i: (0, i)),
    ],
    out_specs=pl.BlockSpec((1, BN), lambda i: (0, i)),
    out_shape=jax.ShapeDtypeStruct((1, N), jnp.int32),
)


_SCH = _BPW // 128


@functools.cache
def _make_gather_zq():
    mesh = plsc.VectorSubcoreMesh(core_axis_name="c", subcore_axis_name="s")

    @functools.partial(
        pl.kernel,
        mesh=mesh,
        out_type=(
            jax.ShapeDtypeStruct((N, D), jnp.float32),
            jax.ShapeDtypeStruct((_NC, K), jnp.float32),
        ),
        scratch_types=[
            pltpu.VMEM((_BPW,), jnp.int32),
            pltpu.VMEM((_BPW, D), jnp.float32),
            pltpu.VMEM((_SCH, 128), jnp.int32),
            pltpu.VMEM((128,), jnp.float32),
            pltpu.VMEM_SHARED((K,), jnp.float32),
            pltpu.SemaphoreType.DMA,
        ],
    )
    def _gather_zq(w_hbm, idx_hbm, zeros_hbm, out_hbm, cnt_hbm,
                   idx_v, rows_v, idxc_v, ones_v, counts_sh, sem):
        cid = lax.axis_index("c")
        sid = lax.axis_index("s")
        wid = sid * _NC + cid
        base = wid * _BPW
        pltpu.sync_copy(idx_hbm.at[pl.ds(base, _BPW)], idx_v)
        pltpu.async_copy(w_hbm.at[idx_v], rows_v, sem).wait()
        pltpu.sync_copy(rows_v, out_hbm.at[pl.ds(base, _BPW)])

        for j in range(_SCH):
            pltpu.sync_copy(idx_hbm.at[pl.ds(base + j * 128, 128)], idxc_v.at[j])
        for j in range(8):
            ones_v[pl.ds(j * 16, 16)] = jnp.full((16,), 1.0, jnp.float32)

        @pl.when(sid == 0)
        def _zero():
            pltpu.sync_copy(zeros_hbm.at[cid], counts_sh)

        plsc.subcore_barrier()
        for j in range(_SCH):
            pltpu.sync_copy(ones_v, counts_sh.at[idxc_v.at[j]], add=True)
        plsc.subcore_barrier()

        @pl.when(sid == 0)
        def _out():
            pltpu.sync_copy(counts_sh, cnt_hbm.at[cid])

    return _gather_zq


def _loss_body(ze_ref, zq_ref, cnt_ref, st_ref, scal_ref, acc_ref):
    i = pl.program_id(0)
    nsteps = pl.num_programs(0)

    @pl.when(i == 0)
    def _init():
        acc_ref[0] = 0.0

    ze = ze_ref[...]
    zq = zq_ref[...]
    diff = zq - ze
    st_ref[...] = ze + diff
    acc_ref[0] += jnp.sum(diff * diff)

    @pl.when(i == nsteps - 1)
    def _fin():
        cnt = cnt_ref[0, :] + cnt_ref[1, :]
        p = cnt * (1.0 / N) + 1e-10
        ent = -jnp.sum(p * jnp.log(p))
        cb = acc_ref[0] / (N * D)
        scal_ref[0] = cb
        scal_ref[1] = COMMITMENT_COST * cb
        scal_ref[2] = -ENTROPY_WEIGHT * (ent / jnp.log(float(K)))
        scal_ref[3] = jnp.exp(ent)


_loss_call = pl.pallas_call(
    _loss_body,
    grid=(N // BN,),
    in_specs=[
        pl.BlockSpec((BN, D), lambda i: (i, 0)),
        pl.BlockSpec((BN, D), lambda i: (i, 0)),
        pl.BlockSpec((_NC, K), lambda i: (0, 0)),
    ],
    out_specs=[
        pl.BlockSpec((BN, D), lambda i: (i, 0)),
        pl.BlockSpec(memory_space=pltpu.SMEM),
    ],
    out_shape=[
        jax.ShapeDtypeStruct((N, D), jnp.float32),
        jax.ShapeDtypeStruct((4,), jnp.float32),
    ],
    scratch_shapes=[
        pltpu.SMEM((1,), jnp.float32),
    ],
)


_BRTAB = np.array([int(format(p, f"0{_BKB}b")[::-1], 2) for p in range(BK)])
_BRPERM = (np.arange(K).reshape(-1, BK)[:, _BRTAB]).reshape(-1)


def kernel(z_e, W):
    z2 = jnp.sum(z_e * z_e, axis=-1)[None, :]
    W_br = W[_BRPERM]
    w2_br = jnp.sum(W_br * W_br, axis=-1, keepdims=True)
    idx_row = _argmin_call(z_e, W_br, w2_br, z2)
    idx = idx_row.reshape(N)
    zeros2k = jnp.zeros((_NC, K), jnp.float32)
    z_q, counts = _make_gather_zq()(W, idx, zeros2k)
    z_q_st, scal = _loss_call(z_e, z_q, counts)
    return (z_q_st, idx, scal[0], scal[1], scal[2], scal[3])

# --- scband reference (transcript-rebuilt; emitter-appended) ---
"""Pipeline reference for scband-entropy-regularized-vq-41549513621535 (READ-ONLY COPY).

The authoritative reference and input builder live on the scoring server;
editing this copy changes nothing except your own understanding.
"""

import jax, jax.numpy as jnp
import numpy as np

NUM_CODES = 8192
EMBED_DIM = 256
COMMITMENT_COST = 0.25
ENTROPY_WEIGHT = 0.1


def setup_inputs(seed: int = 0) -> dict:
    key = jax.random.key(seed)
    k1, k2 = jax.random.split(key)
    z_e = jax.random.normal(k1, (8192, EMBED_DIM), dtype=jnp.float32)
    W = jax.random.uniform(k2, (NUM_CODES, EMBED_DIM), minval=-1.0 / NUM_CODES, maxval=1.0 / NUM_CODES, dtype=jnp.float32)
    return {"z_e": z_e, "W": W}


def reference(z_e, W):
    # torch.cdist(z_e, W) -> euclidean distances [N, K]
    z2 = jnp.sum(z_e * z_e, axis=-1, keepdims=True)
    w2 = jnp.sum(W * W, axis=-1)[None, :]
    d2 = z2 + w2 - 2.0 * (z_e @ W.T)
    distances = jnp.sqrt(jnp.clip(d2, 0.0, None))
    indices = jnp.argmin(distances, axis=-1)
    z_q = jnp.take(W, indices, axis=0)
    codebook_loss = jnp.mean((jax.lax.stop_gradient(z_q) - z_e) ** 2)
    commitment_loss = COMMITMENT_COST * jnp.mean((z_q - jax.lax.stop_gradient(z_e)) ** 2)
    encodings = jax.nn.one_hot(indices, NUM_CODES, dtype=jnp.float32)
    avg_probs = jnp.mean(encodings, axis=0) + 1e-10
    entropy = -jnp.sum(avg_probs * jnp.log(avg_probs))
    max_entropy = np.log(NUM_CODES)
    entropy_loss = -ENTROPY_WEIGHT * (entropy / max_entropy)
    z_q_st = z_e + jax.lax.stop_gradient(z_q - z_e)
    perplexity = jnp.exp(entropy)
    return (z_q_st, indices, codebook_loss, commitment_loss, entropy_loss, perplexity)

if __name__ == "__main__":
    import jax
    _d = setup_inputs()
    print(jax.jit(kernel)(*tuple(_d.values())))

</pallas_src>

<mosaic_0001>
#map = affine_map<(d0, d1) -> (0, 0)>
#map1 = affine_map<(d0, d1) -> (0)>
module attributes {stable_mosaic.version = 14 : i64} {
  func.func @_gather_zq(%arg0: i32, %arg1: i32, %arg2: memref<8192x256xf32, #tpu.memory_space<hbm>>, %arg3: memref<8192xi32, #tpu.memory_space<hbm>>, %arg4: memref<2x8192xf32, #tpu.memory_space<hbm>>, %arg5: memref<8192x256xf32, #tpu.memory_space<hbm>>, %arg6: memref<2x8192xf32, #tpu.memory_space<hbm>>, %arg7: memref<256xi32, #tpu.memory_space<vmem>>, %arg8: memref<256x256xf32, #tpu.memory_space<vmem>>, %arg9: memref<2x128xi32, #tpu.memory_space<vmem>>, %arg10: memref<128xf32, #tpu.memory_space<vmem>>, %arg11: memref<8192xf32, #tpu.memory_space<vmem_shared>>, %arg12: memref<!tpu.dma_semaphore, #tpu.memory_space<semaphore_mem>>) attributes {dimension_semantics = [#tpu.dimension_semantics<core_parallel>, #tpu.dimension_semantics<subcore_parallel>], iteration_bounds = array<i64: 2, 16>, scalar_prefetch = 0 : i64, scratch_operands = 6 : i64, tpu.core_type = #tpu.core_type<sc_vector_subcore>, window_params = [{transform_indices = #map}, {transform_indices = #map1}, {transform_indices = #map}, {transform_indices = #map}, {transform_indices = #map}]} {
    %mul3A = arith.constant 2 : i32
    %mul3A_0 = arith.muli %arg1, %mul3A : i32
    %add3A = arith.addi %mul3A_0, %arg0 : i32
    %mul3A_1 = arith.constant 256 : i32
    %mul3A_2 = arith.muli %add3A, %mul3A_1 : i32
    "tpu.region"() ({
      %run_scoped3A_68 = tpu.sem_alloc : memref<!tpu.dma_semaphore, #tpu.memory_space<semaphore_mem>>
      %dma_start3A_69 = tpu.memref_slice %arg3[%mul3A_2] : memref<8192xi32, #tpu.memory_space<hbm>> -> memref<256xi32, #tpu.memory_space<hbm>>
      %dma_start3A_70 = tpu.memref_slice %arg3[%mul3A_2] : memref<8192xi32, #tpu.memory_space<hbm>> -> memref<256xi32, #tpu.memory_space<hbm>>
      tpu.enqueue_dma source(%dma_start3A_70 : memref<256xi32, #tpu.memory_space<hbm>>) target(%arg7 : memref<256xi32, #tpu.memory_space<vmem>>) target_semaphore(%run_scoped3A_68 : memref<!tpu.dma_semaphore, #tpu.memory_space<semaphore_mem>>)
      %dma_wait3A_71 = tpu.memref_slice %arg3[%mul3A_2] : memref<8192xi32, #tpu.memory_space<hbm>> -> memref<256xi32, #tpu.memory_space<hbm>>
      %dma_wait3A_72 = tpu.memref_slice %arg3[%mul3A_2] : memref<8192xi32, #tpu.memory_space<hbm>> -> memref<256xi32, #tpu.memory_space<hbm>>
      tpu.wait_dma2 semaphore(%run_scoped3A_68 : memref<!tpu.dma_semaphore, #tpu.memory_space<semaphore_mem>>) src(%dma_wait3A_72 : memref<256xi32, #tpu.memory_space<hbm>>) dst(%arg7 : memref<256xi32, #tpu.memory_space<vmem>>)
      tpu.yield
    }) : () -> ()
    %dma_start3A = arith.constant 0 : i32
    %dma_start3A_3 = arith.constant 0 : i32
    %dma_start3A_4 = tpu.memref_slice %arg2[%dma_start3A, %dma_start3A_3] : memref<8192x256xf32, #tpu.memory_space<hbm>> -> memref<8192x256xf32, #tpu.memory_space<hbm>>
    tpu.enqueue_indirect_dma source(%dma_start3A_4 : memref<8192x256xf32, #tpu.memory_space<hbm>>) target(%arg8 : memref<256x256xf32, #tpu.memory_space<vmem>>) offsets(%arg7 : memref<256xi32, #tpu.memory_space<vmem>>) semaphore(%arg12 : memref<!tpu.dma_semaphore, #tpu.memory_space<semaphore_mem>>)
    %dma_wait3A = arith.constant 0 : i32
    %dma_wait3A_5 = arith.constant 0 : i32
    %dma_wait3A_6 = tpu.memref_slice %arg2[%dma_wait3A, %dma_wait3A_5] : memref<8192x256xf32, #tpu.memory_space<hbm>> -> memref<8192x256xf32, #tpu.memory_space<hbm>>
    tpu.wait_indirect_dma semaphore(%arg12 : memref<!tpu.dma_semaphore, #tpu.memory_space<semaphore_mem>>) src(%dma_wait3A_6 : memref<8192x256xf32, #tpu.memory_space<hbm>>) dst(%arg8 : memref<256x256xf32, #tpu.memory_space<vmem>>)
    "tpu.region"() ({
      %run_scoped3A_68 = tpu.sem_alloc : memref<!tpu.dma_semaphore, #tpu.memory_space<semaphore_mem>>
      %dma_start3A_69 = arith.constant 0 : i32
      %dma_start3A_70 = tpu.memref_slice %arg5[%mul3A_2, %dma_start3A_69] : memref<8192x256xf32, #tpu.memory_space<hbm>> -> memref<256x256xf32, #tpu.memory_space<hbm>>
      %dma_start3A_71 = arith.constant 0 : i32
      %dma_start3A_72 = tpu.memref_slice %arg5[%mul3A_2, %dma_start3A_71] : memref<8192x256xf32, #tpu.memory_space<hbm>> -> memref<256x256xf32, #tpu.memory_space<hbm>>
      tpu.enqueue_dma source(%arg8 : memref<256x256xf32, #tpu.memory_space<vmem>>) target(%dma_start3A_72 : memref<256x256xf32, #tpu.memory_space<hbm>>) target_semaphore(%run_scoped3A_68 : memref<!tpu.dma_semaphore, #tpu.memory_space<semaphore_mem>>)
      %dma_wait3A_73 = arith.constant 0 : i32
      %dma_wait3A_74 = tpu.memref_slice %arg5[%mul3A_2, %dma_wait3A_73] : memref<8192x256xf32, #tpu.memory_space<hbm>> -> memref<256x256xf32, #tpu.memory_space<hbm>>
      %dma_wait3A_75 = arith.constant 0 : i32
      %dma_wait3A_76 = tpu.memref_slice %arg5[%mul3A_2, %dma_wait3A_75] : memref<8192x256xf32, #tpu.memory_space<hbm>> -> memref<256x256xf32, #tpu.memory_space<hbm>>
      tpu.wait_dma2 semaphore(%run_scoped3A_68 : memref<!tpu.dma_semaphore, #tpu.memory_space<semaphore_mem>>) src(%arg8 : memref<256x256xf32, #tpu.memory_space<vmem>>) dst(%dma_wait3A_76 : memref<256x256xf32, #tpu.memory_space<hbm>>)
      tpu.yield
    }) : () -> ()
    %add3A_7 = arith.constant 0 : i32
    %add3A_8 = arith.addi %mul3A_2, %add3A_7 : i32
    %run_scoped3A = arith.constant 0 : i32
    "tpu.region"() ({
      %run_scoped3A_68 = tpu.sem_alloc : memref<!tpu.dma_semaphore, #tpu.memory_space<semaphore_mem>>
      %dma_start3A_69 = arith.constant 0 : i32
      %dma_start3A_70 = tpu.memref_slice %arg9[%run_scoped3A, %dma_start3A_69] : memref<2x128xi32, #tpu.memory_space<vmem>> -> memref<1x128xi32, #tpu.memory_space<vmem>>
      %dma_start3A_71 = tpu.memref_squeeze %dma_start3A_70 : memref<1x128xi32, #tpu.memory_space<vmem>> -> memref<128xi32, #tpu.memory_space<vmem>>
      %dma_start3A_72 = tpu.memref_slice %arg3[%add3A_8] : memref<8192xi32, #tpu.memory_space<hbm>> -> memref<128xi32, #tpu.memory_space<hbm>>
      %dma_start3A_73 = arith.constant 0 : i32
      %dma_start3A_74 = tpu.memref_slice %arg9[%run_scoped3A, %dma_start3A_73] : memref<2x128xi32, #tpu.memory_space<vmem>> -> memref<1x128xi32, #tpu.memory_space<vmem>>
      %dma_start3A_75 = tpu.memref_squeeze %dma_start3A_74 : memref<1x128xi32, #tpu.memory_space<vmem>> -> memref<128xi32, #tpu.memory_space<vmem>>
      %dma_start3A_76 = tpu.memref_slice %arg3[%add3A_8] : memref<8192xi32, #tpu.memory_space<hbm>> -> memref<128xi32, #tpu.memory_space<hbm>>
      tpu.enqueue_dma source(%dma_start3A_76 : memref<128xi32, #tpu.memory_space<hbm>>) target(%dma_start3A_75 : memref<128xi32, #tpu.memory_space<vmem>>) target_semaphore(%run_scoped3A_68 : memref<!tpu.dma_semaphore, #tpu.memory_space<semaphore_mem>>)
      %dma_wait3A_77 = arith.constant 0 : i32
      %dma_wait3A_78 = tpu.memref_slice %arg9[%run_scoped3A, %dma_wait3A_77] : memref<2x128xi32, #tpu.memory_space<vmem>> -> memref<1x128xi32, #tpu.memory_space<vmem>>
      %dma_wait3A_79 = tpu.memref_squeeze %dma_wait3A_78 : memref<1x128xi32, #tpu.memory_space<vmem>> -> memref<128xi32, #tpu.memory_space<vmem>>
      %dma_wait3A_80 = tpu.memref_slice %arg3[%add3A_8] : memref<8192xi32, #tpu.memory_space<hbm>> -> memref<128xi32, #tpu.memory_space<hbm>>
      %dma_wait3A_81 = arith.constant 0 : i32
      %dma_wait3A_82 = tpu.memref_slice %arg9[%run_scoped3A, %dma_wait3A_81] : memref<2x128xi32, #tpu.memory_space<vmem>> -> memref<1x128xi32, #tpu.memory_space<vmem>>
      %dma_wait3A_83 = tpu.memref_squeeze %dma_wait3A_82 : memref<1x128xi32, #tpu.memory_space<vmem>> -> memref<128xi32, #tpu.memory_space<vmem>>
      %dma_wait3A_84 = tpu.memref_slice %arg3[%add3A_8] : memref<8192xi32, #tpu.memory_space<hbm>> -> memref<128xi32, #tpu.memory_space<hbm>>
      tpu.wait_dma2 semaphore(%run_scoped3A_68 : memref<!tpu.dma_semaphore, #tpu.memory_space<semaphore_mem>>) src(%dma_wait3A_84 : memref<128xi32, #tpu.memory_space<hbm>>) dst(%dma_wait3A_83 : memref<128xi32, #tpu.memory_space<vmem>>)
      tpu.yield
    }) : () -> ()
    %add3A_9 = arith.constant 128 : i32
    %add3A_10 = arith.addi %mul3A_2, %add3A_9 : i32
    %run_scoped3A_11 = arith.constant 1 : i32
    "tpu.region"() ({
      %run_scoped3A_68 = tpu.sem_alloc : memref<!tpu.dma_semaphore, #tpu.memory_space<semaphore_mem>>
      %dma_start3A_69 = arith.constant 0 : i32
      %dma_start3A_70 = tpu.memref_slice %arg9[%run_scoped3A_11, %dma_start3A_69] : memref<2x128xi32, #tpu.memory_space<vmem>> -> memref<1x128xi32, #tpu.memory_space<vmem>>
      %dma_start3A_71 = tpu.memref_squeeze %dma_start3A_70 : memref<1x128xi32, #tpu.memory_space<vmem>> -> memref<128xi32, #tpu.memory_space<vmem>>
      %dma_start3A_72 = tpu.memref_slice %arg3[%add3A_10] : memref<8192xi32, #tpu.memory_space<hbm>> -> memref<128xi32, #tpu.memory_space<hbm>>
      %dma_start3A_73 = arith.constant 0 : i32
      %dma_start3A_74 = tpu.memref_slice %arg9[%run_scoped3A_11, %dma_start3A_73] : memref<2x128xi32, #tpu.memory_space<vmem>> -> memref<1x128xi32, #tpu.memory_space<vmem>>
      %dma_start3A_75 = tpu.memref_squeeze %dma_start3A_74 : memref<1x128xi32, #tpu.memory_space<vmem>> -> memref<128xi32, #tpu.memory_space<vmem>>
      %dma_start3A_76 = tpu.memref_slice %arg3[%add3A_10] : memref<8192xi32, #tpu.memory_space<hbm>> -> memref<128xi32, #tpu.memory_space<hbm>>
      tpu.enqueue_dma source(%dma_start3A_76 : memref<128xi32, #tpu.memory_space<hbm>>) target(%dma_start3A_75 : memref<128xi32, #tpu.memory_space<vmem>>) target_semaphore(%run_scoped3A_68 : memref<!tpu.dma_semaphore, #tpu.memory_space<semaphore_mem>>)
      %dma_wait3A_77 = arith.constant 0 : i32
      %dma_wait3A_78 = tpu.memref_slice %arg9[%run_scoped3A_11, %dma_wait3A_77] : memref<2x128xi32, #tpu.memory_space<vmem>> -> memref<1x128xi32, #tpu.memory_space<vmem>>
      %dma_wait3A_79 = tpu.memref_squeeze %dma_wait3A_78 : memref<1x128xi32, #tpu.memory_space<vmem>> -> memref<128xi32, #tpu.memory_space<vmem>>
      %dma_wait3A_80 = tpu.memref_slice %arg3[%add3A_10] : memref<8192xi32, #tpu.memory_space<hbm>> -> memref<128xi32, #tpu.memory_space<hbm>>
      %dma_wait3A_81 = arith.constant 0 : i32
      %dma_wait3A_82 = tpu.memref_slice %arg9[%run_scoped3A_11, %dma_wait3A_81] : memref<2x128xi32, #tpu.memory_space<vmem>> -> memref<1x128xi32, #tpu.memory_space<vmem>>
      %dma_wait3A_83 = tpu.memref_squeeze %dma_wait3A_82 : memref<1x128xi32, #tpu.memory_space<vmem>> -> memref<128xi32, #tpu.memory_space<vmem>>
      %dma_wait3A_84 = tpu.memref_slice %arg3[%add3A_10] : memref<8192xi32, #tpu.memory_space<hbm>> -> memref<128xi32, #tpu.memory_space<hbm>>
      tpu.wait_dma2 semaphore(%run_scoped3A_68 : memref<!tpu.dma_semaphore, #tpu.memory_space<semaphore_mem>>) src(%dma_wait3A_84 : memref<128xi32, #tpu.memory_space<hbm>>) dst(%dma_wait3A_83 : memref<128xi32, #tpu.memory_space<vmem>>)
      tpu.yield
    }) : () -> ()
    %broadcast_in_dim3A = arith.constant 1.000000e+00 : f32
    %broadcast_in_dim3A_12 = vector.broadcast %broadcast_in_dim3A : f32 to vector<16xf32>
    %swap3A = arith.constant 0 : index
    %swap3A_13 = tpu.vector_load %arg10[%swap3A] {strides = array<i32>} : memref<128xf32, #tpu.memory_space<vmem>>, vector<16xf32>,
    %swap3A_14 = vector.shape_cast %swap3A_13 : vector<16xf32> to vector<16xf32>
    %swap3A_15 = vector.shape_cast %broadcast_in_dim3A_12 : vector<16xf32> to vector<16xf32>
    tpu.vector_store %arg10[%swap3A], %swap3A_15 {strides = array<i32>} : memref<128xf32, #tpu.memory_space<vmem>>, vector<16xf32>,
    %broadcast_in_dim3A_16 = arith.constant 1.000000e+00 : f32
    %broadcast_in_dim3A_17 = vector.broadcast %broadcast_in_dim3A_16 : f32 to vector<16xf32>
    %swap3A_18 = arith.constant 16 : index
    %swap3A_19 = tpu.vector_load %arg10[%swap3A_18] {strides = array<i32>} : memref<128xf32, #tpu.memory_space<vmem>>, vector<16xf32>,
    %swap3A_20 = vector.shape_cast %swap3A_19 : vector<16xf32> to vector<16xf32>
    %swap3A_21 = vector.shape_cast %broadcast_in_dim3A_17 : vector<16xf32> to vector<16xf32>
    tpu.vector_store %arg10[%swap3A_18], %swap3A_21 {strides = array<i32>} : memref<128xf32, #tpu.memory_space<vmem>>, vector<16xf32>,
    %broadcast_in_dim3A_22 = arith.constant 1.000000e+00 : f32
    %broadcast_in_dim3A_23 = vector.broadcast %broadcast_in_dim3A_22 : f32 to vector<16xf32>
    %swap3A_24 = arith.constant 32 : index
    %swap3A_25 = tpu.vector_load %arg10[%swap3A_24] {strides = array<i32>} : memref<128xf32, #tpu.memory_space<vmem>>, vector<16xf32>,
    %swap3A_26 = vector.shape_cast %swap3A_25 : vector<16xf32> to vector<16xf32>
    %swap3A_27 = vector.shape_cast %broadcast_in_dim3A_23 : vector<16xf32> to vector<16xf32>
    tpu.vector_store %arg10[%swap3A_24], %swap3A_27 {strides = array<i32>} : memref<128xf32, #tpu.memory_space<vmem>>, vector<16xf32>,
    %broadcast_in_dim3A_28 = arith.constant 1.000000e+00 : f32
    %broadcast_in_dim3A_29 = vector.broadcast %broadcast_in_dim3A_28 : f32 to vector<16xf32>
    %swap3A_30 = arith.constant 48 : index
    %swap3A_31 = tpu.vector_load %arg10[%swap3A_30] {strides = array<i32>} : memref<128xf32, #tpu.memory_space<vmem>>, vector<16xf32>,
    %swap3A_32 = vector.shape_cast %swap3A_31 : vector<16xf32> to vector<16xf32>
    %swap3A_33 = vector.shape_cast %broadcast_in_dim3A_29 : vector<16xf32> to vector<16xf32>
    tpu.vector_store %arg10[%swap3A_30], %swap3A_33 {strides = array<i32>} : memref<128xf32, #tpu.memory_space<vmem>>, vector<16xf32>,
    %broadcast_in_dim3A_34 = arith.constant 1.000000e+00 : f32
    %broadcast_in_dim3A_35 = vector.broadcast %broadcast_in_dim3A_34 : f32 to vector<16xf32>
    %swap3A_36 = arith.constant 64 : index
    %swap3A_37 = tpu.vector_load %arg10[%swap3A_36] {strides = array<i32>} : memref<128xf32, #tpu.memory_space<vmem>>, vector<16xf32>,
    %swap3A_38 = vector.shape_cast %swap3A_37 : vector<16xf32> to vector<16xf32>
    %swap3A_39 = vector.shape_cast %broadcast_in_dim3A_35 : vector<16xf32> to vector<16xf32>
    tpu.vector_store %arg10[%swap3A_36], %swap3A_39 {strides = array<i32>} : memref<128xf32, #tpu.memory_space<vmem>>, vector<16xf32>,
    %broadcast_in_dim3A_40 = arith.constant 1.000000e+00 : f32
    %broadcast_in_dim3A_41 = vector.broadcast %broadcast_in_dim3A_40 : f32 to vector<16xf32>
    %swap3A_42 = arith.constant 80 : index
    %swap3A_43 = tpu.vector_load %arg10[%swap3A_42] {strides = array<i32>} : memref<128xf32, #tpu.memory_space<vmem>>, vector<16xf32>,
    %swap3A_44 = vector.shape_cast %swap3A_43 : vector<16xf32> to vector<16xf32>
    %swap3A_45 = vector.shape_cast %broadcast_in_dim3A_41 : vector<16xf32> to vector<16xf32>
    tpu.vector_store %arg10[%swap3A_42], %swap3A_45 {strides = array<i32>} : memref<128xf32, #tpu.memory_space<vmem>>, vector<16xf32>,
    %broadcast_in_dim3A_46 = arith.constant 1.000000e+00 : f32
    %broadcast_in_dim3A_47 = vector.broadcast %broadcast_in_dim3A_46 : f32 to vector<16xf32>
    %swap3A_48 = arith.constant 96 : index
    %swap3A_49 = tpu.vector_load %arg10[%swap3A_48] {strides = array<i32>} : memref<128xf32, #tpu.memory_space<vmem>>, vector<16xf32>,
    %swap3A_50 = vector.shape_cast %swap3A_49 : vector<16xf32> to vector<16xf32>
    %swap3A_51 = vector.shape_cast %broadcast_in_dim3A_47 : vector<16xf32> to vector<16xf32>
    tpu.vector_store %arg10[%swap3A_48], %swap3A_51 {strides = array<i32>} : memref<128xf32, #tpu.memory_space<vmem>>, vector<16xf32>,
    %broadcast_in_dim3A_52 = arith.constant 1.000000e+00 : f32
    %broadcast_in_dim3A_53 = vector.broadcast %broadcast_in_dim3A_52 : f32 to vector<16xf32>
    %swap3A_54 = arith.constant 112 : index
    %swap3A_55 = tpu.vector_load %arg10[%swap3A_54] {strides = array<i32>} : memref<128xf32, #tpu.memory_space<vmem>>, vector<16xf32>,
    %swap3A_56 = vector.shape_cast %swap3A_55 : vector<16xf32> to vector<16xf32>
    %swap3A_57 = vector.shape_cast %broadcast_in_dim3A_53 : vector<16xf32> to vector<16xf32>
    tpu.vector_store %arg10[%swap3A_54], %swap3A_57 {strides = array<i32>} : memref<128xf32, #tpu.memory_space<vmem>>, vector<16xf32>,
    %eq3A = arith.constant 0 : i32
    %eq3A_58 = arith.cmpi eq, %arg1, %eq3A : i32
    %convert_element_type3A = arith.extui %eq3A_58 : i1 to i32
    %cond3A = arith.constant 0 : i32
    %cond3A_59 = arith.cmpi ne, %convert_element_type3A, %cond3A : i32
    scf.if %cond3A_59 {
      "tpu.region"() ({
        %run_scoped3A_68 = tpu.sem_alloc : memref<!tpu.dma_semaphore, #tpu.memory_space<semaphore_mem>>
        %dma_start3A_69 = arith.constant 0 : i32
        %dma_start3A_70 = tpu.memref_slice %arg4[%arg0, %dma_start3A_69] : memref<2x8192xf32, #tpu.memory_space<hbm>> -> memref<1x8192xf32, #tpu.memory_space<hbm>>
        %dma_start3A_71 = tpu.memref_squeeze %dma_start3A_70 : memref<1x8192xf32, #tpu.memory_space<hbm>> -> memref<8192xf32, #tpu.memory_space<hbm>>
        tpu.enqueue_dma source(%dma_start3A_71 : memref<8192xf32, #tpu.memory_space<hbm>>) target(%arg11 : memref<8192xf32, #tpu.memory_space<vmem_shared>>) target_semaphore(%run_scoped3A_68 : memref<!tpu.dma_semaphore, #tpu.memory_space<semaphore_mem>>)
        %dma_wait3A_72 = arith.constant 0 : i32
        %dma_wait3A_73 = tpu.memref_slice %arg4[%arg0, %dma_wait3A_72] : memref<2x8192xf32, #tpu.memory_space<hbm>> -> memref<1x8192xf32, #tpu.memory_space<hbm>>
        %dma_wait3A_74 = tpu.memref_squeeze %dma_wait3A_73 : memref<1x8192xf32, #tpu.memory_space<hbm>> -> memref<8192xf32, #tpu.memory_space<hbm>>
        tpu.wait_dma2 semaphore(%run_scoped3A_68 : memref<!tpu.dma_semaphore, #tpu.memory_space<semaphore_mem>>) src(%dma_wait3A_74 : memref<8192xf32, #tpu.memory_space<hbm>>) dst(%arg11 : memref<8192xf32, #tpu.memory_space<vmem_shared>>)
        tpu.yield
      }) : () -> ()
    } else {
    }
    %barrier3A = arith.constant 0 : index
    tpu.barrier barrier_id(%barrier3A)
    %run_scoped3A_60 = arith.constant 0 : i32
    "tpu.region"() ({
      %run_scoped3A_68 = tpu.sem_alloc : memref<!tpu.dma_semaphore, #tpu.memory_space<semaphore_mem>>
      %dma_start3A_69 = arith.constant 0 : i32
      %dma_start3A_70 = tpu.memref_slice %arg9[%run_scoped3A_60, %dma_start3A_69] : memref<2x128xi32, #tpu.memory_space<vmem>> -> memref<1x128xi32, #tpu.memory_space<vmem>>
      %dma_start3A_71 = tpu.memref_squeeze %dma_start3A_70 : memref<1x128xi32, #tpu.memory_space<vmem>> -> memref<128xi32, #tpu.memory_space<vmem>>
      %dma_start3A_72 = arith.constant 0 : i32
      %dma_start3A_73 = tpu.memref_slice %arg11[%dma_start3A_72] : memref<8192xf32, #tpu.memory_space<vmem_shared>> -> memref<8192xf32, #tpu.memory_space<vmem_shared>>
      tpu.enqueue_indirect_dma source(%arg10 : memref<128xf32, #tpu.memory_space<vmem>>) target(%dma_start3A_73 : memref<8192xf32, #tpu.memory_space<vmem_shared>>) offsets(%dma_start3A_71 : memref<128xi32, #tpu.memory_space<vmem>>) semaphore(%run_scoped3A_68 : memref<!tpu.dma_semaphore, #tpu.memory_space<semaphore_mem>>) {add = true}
      %dma_wait3A_74 = arith.constant 0 : i32
      %dma_wait3A_75 = tpu.memref_slice %arg9[%run_scoped3A_60, %dma_wait3A_74] : memref<2x128xi32, #tpu.memory_space<vmem>> -> memref<1x128xi32, #tpu.memory_space<vmem>>
      %dma_wait3A_76 = tpu.memref_squeeze %dma_wait3A_75 : memref<1x128xi32, #tpu.memory_space<vmem>> -> memref<128xi32, #tpu.memory_space<vmem>>
      %dma_wait3A_77 = arith.constant 0 : i32
      %dma_wait3A_78 = tpu.memref_slice %arg11[%dma_wait3A_77] : memref<8192xf32, #tpu.memory_space<vmem_shared>> -> memref<8192xf32, #tpu.memory_space<vmem_shared>>
      tpu.wait_indirect_dma semaphore(%run_scoped3A_68 : memref<!tpu.dma_semaphore, #tpu.memory_space<semaphore_mem>>) src(%arg10 : memref<128xf32, #tpu.memory_space<vmem>>) dst(%dma_wait3A_78 : memref<8192xf32, #tpu.memory_space<vmem_shared>>)
      tpu.yield
    }) : () -> ()
    %run_scoped3A_61 = arith.constant 1 : i32
    "tpu.region"() ({
      %run_scoped3A_68 = tpu.sem_alloc : memref<!tpu.dma_semaphore, #tpu.memory_space<semaphore_mem>>
      %dma_start3A_69 = arith.constant 0 : i32
      %dma_start3A_70 = tpu.memref_slice %arg9[%run_scoped3A_61, %dma_start3A_69] : memref<2x128xi32, #tpu.memory_space<vmem>> -> memref<1x128xi32, #tpu.memory_space<vmem>>
      %dma_start3A_71 = tpu.memref_squeeze %dma_start3A_70 : memref<1x128xi32, #tpu.memory_space<vmem>> -> memref<128xi32, #tpu.memory_space<vmem>>
      %dma_start3A_72 = arith.constant 0 : i32
      %dma_start3A_73 = tpu.memref_slice %arg11[%dma_start3A_72] : memref<8192xf32, #tpu.memory_space<vmem_shared>> -> memref<8192xf32, #tpu.memory_space<vmem_shared>>
      tpu.enqueue_indirect_dma source(%arg10 : memref<128xf32, #tpu.memory_space<vmem>>) target(%dma_start3A_73 : memref<8192xf32, #tpu.memory_space<vmem_shared>>) offsets(%dma_start3A_71 : memref<128xi32, #tpu.memory_space<vmem>>) semaphore(%run_scoped3A_68 : memref<!tpu.dma_semaphore, #tpu.memory_space<semaphore_mem>>) {add = true}
      %dma_wait3A_74 = arith.constant 0 : i32
      %dma_wait3A_75 = tpu.memref_slice %arg9[%run_scoped3A_61, %dma_wait3A_74] : memref<2x128xi32, #tpu.memory_space<vmem>> -> memref<1x128xi32, #tpu.memory_space<vmem>>
      %dma_wait3A_76 = tpu.memref_squeeze %dma_wait3A_75 : memref<1x128xi32, #tpu.memory_space<vmem>> -> memref<128xi32, #tpu.memory_space<vmem>>
      %dma_wait3A_77 = arith.constant 0 : i32
      %dma_wait3A_78 = tpu.memref_slice %arg11[%dma_wait3A_77] : memref<8192xf32, #tpu.memory_space<vmem_shared>> -> memref<8192xf32, #tpu.memory_space<vmem_shared>>
      tpu.wait_indirect_dma semaphore(%run_scoped3A_68 : memref<!tpu.dma_semaphore, #tpu.memory_space<semaphore_mem>>) src(%arg10 : memref<128xf32, #tpu.memory_space<vmem>>) dst(%dma_wait3A_78 : memref<8192xf32, #tpu.memory_space<vmem_shared>>)
      tpu.yield
    }) : () -> ()
    %barrier3A_62 = arith.constant 0 : index
    tpu.barrier barrier_id(%barrier3A_62)
    %eq3A_63 = arith.constant 0 : i32
    %eq3A_64 = arith.cmpi eq, %arg1, %eq3A_63 : i32
    %convert_element_type3A_65 = arith.extui %eq3A_64 : i1 to i32
    %cond3A_66 = arith.constant 0 : i32
    %cond3A_67 = arith.cmpi ne, %convert_element_type3A_65, %cond3A_66 : i32
    scf.if %cond3A_67 {
      "tpu.region"() ({
        %run_scoped3A_68 = tpu.sem_alloc : memref<!tpu.dma_semaphore, #tpu.memory_space<semaphore_mem>>
        %dma_start3A_69 = arith.constant 0 : i32
        %dma_start3A_70 = tpu.memref_slice %arg6[%arg0, %dma_start3A_69] : memref<2x8192xf32, #tpu.memory_space<hbm>> -> memref<1x8192xf32, #tpu.memory_space<hbm>>
        %dma_start3A_71 = tpu.memref_squeeze %dma_start3A_70 : memref<1x8192xf32, #tpu.memory_space<hbm>> -> memref<8192xf32, #tpu.memory_space<hbm>>
        tpu.enqueue_dma source(%arg11 : memref<8192xf32, #tpu.memory_space<vmem_shared>>) target(%dma_start3A_71 : memref<8192xf32, #tpu.memory_space<hbm>>) target_semaphore(%run_scoped3A_68 : memref<!tpu.dma_semaphore, #tpu.memory_space<semaphore_mem>>)
        %dma_wait3A_72 = arith.constant 0 : i32
        %dma_wait3A_73 = tpu.memref_slice %arg6[%arg0, %dma_wait3A_72] : memref<2x8192xf32, #tpu.memory_space<hbm>> -> memref<1x8192xf32, #tpu.memory_space<hbm>>
        %dma_wait3A_74 = tpu.memref_squeeze %dma_wait3A_73 : memref<1x8192xf32, #tpu.memory_space<hbm>> -> memref<8192xf32, #tpu.memory_space<hbm>>
        tpu.wait_dma2 semaphore(%run_scoped3A_68 : memref<!tpu.dma_semaphore, #tpu.memory_space<semaphore_mem>>) src(%arg11 : memref<8192xf32, #tpu.memory_space<vmem_shared>>) dst(%dma_wait3A_74 : memref<8192xf32, #tpu.memory_space<hbm>>)
        tpu.yield
      }) : () -> ()
    } else {
    }
    return
  }
}

module attributes {stable_mosaic.version = 14 : i64} {
  func.func @_argmin_body(%arg0: i32, %arg1: memref<2048x256xf32, #tpu.memory_space<vmem>>, %arg2: memref<8192x256xf32, #tpu.memory_space<vmem>>, %arg3: memref<8192x1xf32, #tpu.memory_space<vmem>>, %arg4: memref<1x2048xf32, #tpu.memory_space<vmem>>, %arg5: memref<1x2048xi32, #tpu.memory_space<vmem>>) attributes {dimension_semantics = [#tpu.dimension_semantics<arbitrary>], iteration_bounds = array<i64: 4>, scalar_prefetch = 0 : i64, scratch_operands = 0 : i64, tpu.core_type = #tpu.core_type<tc>, window_params = [{transform_indices = @transform_0, window_bounds = array<i64: 2048, 256>}, {pipeline_mode = #tpu.pipeline_mode<synchronous>, transform_indices = @transform_1, window_bounds = array<i64: 8192, 256>}, {pipeline_mode = #tpu.pipeline_mode<synchronous>, transform_indices = @transform_2, window_bounds = array<i64: 8192, 1>}, {transform_indices = @transform_3, window_bounds = array<i64: 1, 2048>}, {transform_indices = @transform_4, window_bounds = array<i64: 1, 2048>}]} {
    %get3A = arith.constant 0 : index
    %get3A_0 = arith.constant 0 : index
    %get3A_1 = vector.load %arg1[%get3A, %get3A_0] : memref<2048x256xf32, #tpu.memory_space<vmem>>, vector<2048x256xf32>
    %get3A_2 = arith.constant 0 : index
    %get3A_3 = arith.constant 0 : index
    %get3A_4 = vector.load %arg4[%get3A_2, %get3A_3] : memref<1x2048xf32, #tpu.memory_space<vmem>>, vector<1x2048xf32>
    %iota3A = tpu.iota {dimensions = array<i32: 0>} : vector<1024x2048xi32>
    %broadcast_in_dim3A = arith.constant 0 : i32
    %broadcast_in_dim3A_5 = vector.broadcast %broadcast_in_dim3A : i32 to vector<1024x2048xi32>
    %shift_right_arithmetic3A = arith.constant 0 : i32
    %shift_right_arithmetic3A_6 = vector.broadcast %shift_right_arithmetic3A : i32 to vector<1024x2048xi32>
    %shift_right_arithmetic3A_7 = arith.shrsi %iota3A, %shift_right_arithmetic3A_6 : vector<1024x2048xi32>
    %and3A = arith.constant 1 : i32
    %and3A_8 = vector.broadcast %and3A : i32 to vector<1024x2048xi32>
    %and3A_9 = arith.andi %shift_right_arithmetic3A_7, %and3A_8 : vector<1024x2048xi32>
    %shift_left3A = arith.constant 10 : i32
    %shift_left3A_10 = vector.broadcast %shift_left3A : i32 to vector<1024x2048xi32>
    %shift_left3A_11 = arith.shli %and3A_9, %shift_left3A_10 : vector<1024x2048xi32>
    %or3A = arith.ori %broadcast_in_dim3A_5, %shift_left3A_11 : vector<1024x2048xi32>
    %shift_right_arithmetic3A_12 = arith.constant 1 : i32
    %shift_right_arithmetic3A_13 = vector.broadcast %shift_right_arithmetic3A_12 : i32 to vector<1024x2048xi32>
    %shift_right_arithmetic3A_14 = arith.shrsi %iota3A, %shift_right_arithmetic3A_13 : vector<1024x2048xi32>
    %and3A_15 = arith.constant 1 : i32
    %and3A_16 = vector.broadcast %and3A_15 : i32 to vector<1024x2048xi32>
    %and3A_17 = arith.andi %shift_right_arithmetic3A_14, %and3A_16 : vector<1024x2048xi32>
    %shift_left3A_18 = arith.constant 9 : i32
    %shift_left3A_19 = vector.broadcast %shift_left3A_18 : i32 to vector<1024x2048xi32>
    %shift_left3A_20 = arith.shli %and3A_17, %shift_left3A_19 : vector<1024x2048xi32>
    %or3A_21 = arith.ori %or3A, %shift_left3A_20 : vector<1024x2048xi32>
    %shift_right_arithmetic3A_22 = arith.constant 2 : i32
    %shift_right_arithmetic3A_23 = vector.broadcast %shift_right_arithmetic3A_22 : i32 to vector<1024x2048xi32>
    %shift_right_arithmetic3A_24 = arith.shrsi %iota3A, %shift_right_arithmetic3A_23 : vector<1024x2048xi32>
    %and3A_25 = arith.constant 1 : i32
    %and3A_26 = vector.broadcast %and3A_25 : i32 to vector<1024x2048xi32>
    %and3A_27 = arith.andi %shift_right_arithmetic3A_24, %and3A_26 : vector<1024x2048xi32>
    %shift_left3A_28 = arith.constant 8 : i32
    %shift_left3A_29 = vector.broadcast %shift_left3A_28 : i32 to vector<1024x2048xi32>
    %shift_left3A_30 = arith.shli %and3A_27, %shift_left3A_29 : vector<1024x2048xi32>
    %or3A_31 = arith.ori %or3A_21, %shift_left3A_30 : vector<1024x2048xi32>
    %shift_right_arithmetic3A_32 = arith.constant 3 : i32
    %shift_right_arithmetic3A_33 = vector.broadcast %shift_right_arithmetic3A_32 : i32 to vector<1024x2048xi32>
    %shift_right_arithmetic3A_34 = arith.shrsi %iota3A, %shift_right_arithmetic3A_33 : vector<1024x2048xi32>
    %and3A_35 = arith.constant 1 : i32
    %and3A_36 = vector.broadcast %and3A_35 : i32 to vector<1024x2048xi32>
    %and3A_37 = arith.andi %shift_right_arithmetic3A_34, %and3A_36 : vector<1024x2048xi32>
    %shift_left3A_38 = arith.constant 7 : i32
    %shift_left3A_39 = vector.broadcast %shift_left3A_38 : i32 to vector<1024x2048xi32>
    %shift_left3A_40 = arith.shli %and3A_37, %shift_left3A_39 : vector<1024x2048xi32>
    %or3A_41 = arith.ori %or3A_31, %shift_left3A_40 : vector<1024x2048xi32>
    %shift_right_arithmetic3A_42 = arith.constant 4 : i32
    %shift_right_arithmetic3A_43 = vector.broadcast %shift_right_arithmetic3A_42 : i32 to vector<1024x2048xi32>
    %shift_right_arithmetic3A_44 = arith.shrsi %iota3A, %shift_right_arithmetic3A_43 : vector<1024x2048xi32>
    %and3A_45 = arith.constant 1 : i32
    %and3A_46 = vector.broadcast %and3A_45 : i32 to vector<1024x2048xi32>
    %and3A_47 = arith.andi %shift_right_arithmetic3A_44, %and3A_46 : vector<1024x2048xi32>
    %shift_left3A_48 = arith.constant 6 : i32
    %shift_left3A_49 = vector.broadcast %shift_left3A_48 : i32 to vector<1024x2048xi32>
    %shift_left3A_50 = arith.shli %and3A_47, %shift_left3A_49 : vector<1024x2048xi32>
    %or3A_51 = arith.ori %or3A_41, %shift_left3A_50 : vector<1024x2048xi32>
    %shift_right_arithmetic3A_52 = arith.constant 5 : i32
    %shift_right_arithmetic3A_53 = vector.broadcast %shift_right_arithmetic3A_52 : i32 to vector<1024x2048xi32>
    %shift_right_arithmetic3A_54 = arith.shrsi %iota3A, %shift_right_arithmetic3A_53 : vector<1024x2048xi32>
    %and3A_55 = arith.constant 1 : i32
    %and3A_56 = vector.broadcast %and3A_55 : i32 to vector<1024x2048xi32>
    %and3A_57 = arith.andi %shift_right_arithmetic3A_54, %and3A_56 : vector<1024x2048xi32>
    %shift_left3A_58 = arith.constant 5 : i32
    %shift_left3A_59 = vector.broadcast %shift_left3A_58 : i32 to vector<1024x2048xi32>
    %shift_left3A_60 = arith.shli %and3A_57, %shift_left3A_59 : vector<1024x2048xi32>
    %or3A_61 = arith.ori %or3A_51, %shift_left3A_60 : vector<1024x2048xi32>
    %shift_right_arithmetic3A_62 = arith.constant 6 : i32
    %shift_right_arithmetic3A_63 = vector.broadcast %shift_right_arithmetic3A_62 : i32 to vector<1024x2048xi32>
    %shift_right_arithmetic3A_64 = arith.shrsi %iota3A, %shift_right_arithmetic3A_63 : vector<1024x2048xi32>
    %and3A_65 = arith.constant 1 : i32
    %and3A_66 = vector.broadcast %and3A_65 : i32 to vector<1024x2048xi32>
    %and3A_67 = arith.andi %shift_right_arithmetic3A_64, %and3A_66 : vector<1024x2048xi32>
    %shift_left3A_68 = arith.constant 4 : i32
    %shift_left3A_69 = vector.broadcast %shift_left3A_68 : i32 to vector<1024x2048xi32>
    %shift_left3A_70 = arith.shli %and3A_67, %shift_left3A_69 : vector<1024x2048xi32>
    %or3A_71 = arith.ori %or3A_61, %shift_left3A_70 : vector<1024x2048xi32>
    %shift_right_arithmetic3A_72 = arith.constant 7 : i32
    %shift_right_arithmetic3A_73 = vector.broadcast %shift_right_arithmetic3A_72 : i32 to vector<1024x2048xi32>
    %shift_right_arithmetic3A_74 = arith.shrsi %iota3A, %shift_right_arithmetic3A_73 : vector<1024x2048xi32>
    %and3A_75 = arith.constant 1 : i32
    %and3A_76 = vector.broadcast %and3A_75 : i32 to vector<1024x2048xi32>
    %and3A_77 = arith.andi %shift_right_arithmetic3A_74, %and3A_76 : vector<1024x2048xi32>
    %shift_left3A_78 = arith.constant 3 : i32
    %shift_left3A_79 = vector.broadcast %shift_left3A_78 : i32 to vector<1024x2048xi32>
    %shift_left3A_80 = arith.shli %and3A_77, %shift_left3A_79 : vector<1024x2048xi32>
    %or3A_81 = arith.ori %or3A_71, %shift_left3A_80 : vector<1024x2048xi32>
    %shift_right_arithmetic3A_82 = arith.constant 8 : i32
    %shift_right_arithmetic3A_83 = vector.broadcast %shift_right_arithmetic3A_82 : i32 to vector<1024x2048xi32>
    %shift_right_arithmetic3A_84 = arith.shrsi %iota3A, %shift_right_arithmetic3A_83 : vector<1024x2048xi32>
    %and3A_85 = arith.constant 1 : i32
    %and3A_86 = vector.broadcast %and3A_85 : i32 to vector<1024x2048xi32>
    %and3A_87 = arith.andi %shift_right_arithmetic3A_84, %and3A_86 : vector<1024x2048xi32>
    %shift_left3A_88 = arith.constant 2 : i32
    %shift_left3A_89 = vector.broadcast %shift_left3A_88 : i32 to vector<1024x2048xi32>
    %shift_left3A_90 = arith.shli %and3A_87, %shift_left3A_89 : vector<1024x2048xi32>
    %or3A_91 = arith.ori %or3A_81, %shift_left3A_90 : vector<1024x2048xi32>
    %shift_right_arithmetic3A_92 = arith.constant 9 : i32
    %shift_right_arithmetic3A_93 = vector.broadcast %shift_right_arithmetic3A_92 : i32 to vector<1024x2048xi32>
    %shift_right_arithmetic3A_94 = arith.shrsi %iota3A, %shift_right_arithmetic3A_93 : vector<1024x2048xi32>
    %and3A_95 = arith.constant 1 : i32
    %and3A_96 = vector.broadcast %and3A_95 : i32 to vector<1024x2048xi32>
    %and3A_97 = arith.andi %shift_right_arithmetic3A_94, %and3A_96 : vector<1024x2048xi32>
    %shift_left3A_98 = arith.constant 1 : i32
    %shift_left3A_99 = vector.broadcast %shift_left3A_98 : i32 to vector<1024x2048xi32>
    %shift_left3A_100 = arith.shli %and3A_97, %shift_left3A_99 : vector<1024x2048xi32>
    %or3A_101 = arith.ori %or3A_91, %shift_left3A_100 : vector<1024x2048xi32>
    %shift_right_arithmetic3A_102 = arith.constant 10 : i32
    %shift_right_arithmetic3A_103 = vector.broadcast %shift_right_arithmetic3A_102 : i32 to vector<1024x2048xi32>
    %shift_right_arithmetic3A_104 = arith.shrsi %iota3A, %shift_right_arithmetic3A_103 : vector<1024x2048xi32>
    %and3A_105 = arith.constant 1 : i32
    %and3A_106 = vector.broadcast %and3A_105 : i32 to vector<1024x2048xi32>
    %and3A_107 = arith.andi %shift_right_arithmetic3A_104, %and3A_106 : vector<1024x2048xi32>
    %shift_left3A_108 = arith.constant 0 : i32
    %shift_left3A_109 = vector.broadcast %shift_left3A_108 : i32 to vector<1024x2048xi32>
    %shift_left3A_110 = arith.shli %and3A_107, %shift_left3A_109 : vector<1024x2048xi32>
    %or3A_111 = arith.ori %or3A_101, %shift_left3A_110 : vector<1024x2048xi32>
    %add3A = arith.constant 1 : i32
    %add3A_112 = vector.broadcast %add3A : i32 to vector<1024x2048xi32>
    %add3A_113 = arith.addi %or3A_111, %add3A_112 : vector<1024x2048xi32>
    %broadcast_in_dim3A_114 = arith.constant 0x7F800000 : f32
    %broadcast_in_dim3A_115 = vector.broadcast %broadcast_in_dim3A_114 : f32 to vector<1x2048xf32>
    %broadcast_in_dim3A_116 = arith.constant 0 : i32
    %broadcast_in_dim3A_117 = vector.broadcast %broadcast_in_dim3A_116 : i32 to vector<1x2048xi32>
    %scan3A = arith.constant 0 : i32
    %scan3A_118 = arith.constant 4 : i32
    %scan3A_119 = arith.addi %scan3A, %scan3A_118 : i32
    %scan3A_120 = arith.constant 1 : i32
    %scan3A_121:2 = scf.for %scan3A_125 = %scan3A to %scan3A_119 step %scan3A_120 iter_args(%scan3A_126 = %broadcast_in_dim3A_115, %scan3A_127 = %broadcast_in_dim3A_117) -> (vector<1x2048xf32>, vector<1x2048xi32>)  : i32 {
      %mul3A = arith.constant 2048 : i32
      %mul3A_128 = arith.muli %scan3A_125, %mul3A : i32
      %get3A_129 = arith.index_cast %mul3A_128 : i32 to index
      %get3A_130 = arith.constant 0 : index
      %get3A_131 = vector.load %arg2[%get3A_129, %get3A_130] : memref<8192x256xf32, #tpu.memory_space<vmem>>, vector<2048x256xf32>
      %dot_general3A = arith.constant dense<0.000000e+00> : vector<2048x2048xf32>
      %dot_general3A_132 = tpu.matmul %get3A_131, %get3A_1, %dot_general3A {dimension_numbers = #tpu.dot_dimension_numbers<[1], [1], [0], [0], [0, 0, 1, 0], [], []>, transpose_lhs_hint = false} : vector<2048x256xf32>, vector<2048x256xf32>, vector<2048x2048xf32> -> vector<2048x2048xf32>
      %mul3A_133 = arith.constant 2048 : i32
      %mul3A_134 = arith.muli %scan3A_125, %mul3A_133 : i32
      %get3A_135 = arith.index_cast %mul3A_134 : i32 to index
      %get3A_136 = arith.constant 0 : index
      %get3A_137 = vector.load %arg3[%get3A_135, %get3A_136] : memref<8192x1xf32, #tpu.memory_space<vmem>>, vector<2048x1xf32>
      %add3A_138 = vector.broadcast %get3A_4 : vector<1x2048xf32> to vector<2048x2048xf32>
      %add3A_139 = vector.broadcast %get3A_137 : vector<2048x1xf32> to vector<2048x2048xf32>
      %add3A_140 = arith.addf %add3A_138, %add3A_139 : vector<2048x2048xf32>
      %mul3A_141 = arith.constant 2.000000e+00 : f32
      %mul3A_142 = vector.broadcast %mul3A_141 : f32 to vector<2048x2048xf32>
      %mul3A_143 = arith.mulf %mul3A_142, %dot_general3A_132 : vector<2048x2048xf32>
      %sub3A = arith.subf %add3A_140, %mul3A_143 : vector<2048x2048xf32>
      %max3A = arith.constant 0.000000e+00 : f32
      %max3A_144 = vector.broadcast %max3A : f32 to vector<2048x2048xf32>
      %max3A_145 = arith.maximumf %sub3A, %max3A_144 : vector<2048x2048xf32>
      %sqrt3A = math.sqrt %max3A_145 : vector<2048x2048xf32>
      %slice3A = vector.extract_strided_slice %sqrt3A {offsets = [0, 0], sizes = [1024, 2048], strides = [1, 1]} : vector<2048x2048xf32> to vector<1024x2048xf32>
      %slice3A_146 = vector.extract_strided_slice %sqrt3A {offsets = [1024, 0], sizes = [1024, 2048], strides = [1, 1]} : vector<2048x2048xf32> to vector<1024x2048xf32>
      %le3A = arith.cmpf ole, %slice3A, %slice3A_146 : vector<1024x2048xf32>
      %slice3A_147 = vector.extract_strided_slice %sqrt3A {offsets = [0, 0], sizes = [1024, 2048], strides = [1, 1]} : vector<2048x2048xf32> to vector<1024x2048xf32>
      %slice3A_148 = vector.extract_strided_slice %sqrt3A {offsets = [1024, 0], sizes = [1024, 2048], strides = [1, 1]} : vector<2048x2048xf32> to vector<1024x2048xf32>
      %select_n3A = arith.select %le3A, %slice3A_147, %slice3A_148 : vector<1024x2048xi1>, vector<1024x2048xf32>
      %select_n3A_149 = arith.select %le3A, %or3A_111, %add3A_113 : vector<1024x2048xi1>, vector<1024x2048xi32>
      %slice3A_150 = vector.extract_strided_slice %select_n3A {offsets = [0, 0], sizes = [512, 2048], strides = [1, 1]} : vector<1024x2048xf32> to vector<512x2048xf32>
      %slice3A_151 = vector.extract_strided_slice %select_n3A {offsets = [512, 0], sizes = [512, 2048], strides = [1, 1]} : vector<1024x2048xf32> to vector<512x2048xf32>
      %le3A_152 = arith.cmpf ole, %slice3A_150, %slice3A_151 : vector<512x2048xf32>
      %slice3A_153 = vector.extract_strided_slice %select_n3A {offsets = [0, 0], sizes = [512, 2048], strides = [1, 1]} : vector<1024x2048xf32> to vector<512x2048xf32>
      %slice3A_154 = vector.extract_strided_slice %select_n3A {offsets = [512, 0], sizes = [512, 2048], strides = [1, 1]} : vector<1024x2048xf32> to vector<512x2048xf32>
      %select_n3A_155 = arith.select %le3A_152, %slice3A_153, %slice3A_154 : vector<512x2048xi1>, vector<512x2048xf32>
      %slice3A_156 = vector.extract_strided_slice %select_n3A_149 {offsets = [0, 0], sizes = [512, 2048], strides = [1, 1]} : vector<1024x2048xi32> to vector<512x2048xi32>
      %slice3A_157 = vector.extract_strided_slice %select_n3A_149 {offsets = [512, 0], sizes = [512, 2048], strides = [1, 1]} : vector<1024x2048xi32> to vector<512x2048xi32>
      %select_n3A_158 = arith.select %le3A_152, %slice3A_156, %slice3A_157 : vector<512x2048xi1>, vector<512x2048xi32>
      %slice3A_159 = vector.extract_strided_slice %select_n3A_155 {offsets = [0, 0], sizes = [256, 2048], strides = [1, 1]} : vector<512x2048xf32> to vector<256x2048xf32>
      %slice3A_160 = vector.extract_strided_slice %select_n3A_155 {offsets = [256, 0], sizes = [256, 2048], strides = [1, 1]} : vector<512x2048xf32> to vector<256x2048xf32>
      %le3A_161 = arith.cmpf ole, %slice3A_159, %slice3A_160 : vector<256x2048xf32>
      %slice3A_162 = vector.extract_strided_slice %select_n3A_155 {offsets = [0, 0], sizes = [256, 2048], strides = [1, 1]} : vector<512x2048xf32> to vector<256x2048xf32>
      %slice3A_163 = vector.extract_strided_slice %select_n3A_155 {offsets = [256, 0], sizes = [256, 2048], strides = [1, 1]} : vector<512x2048xf32> to vector<256x2048xf32>
      %select_n3A_164 = arith.select %le3A_161, %slice3A_162, %slice3A_163 : vector<256x2048xi1>, vector<256x2048xf32>
      %slice3A_165 = vector.extract_strided_slice %select_n3A_158 {offsets = [0, 0], sizes = [256, 2048], strides = [1, 1]} : vector<512x2048xi32> to vector<256x2048xi32>
      %slice3A_166 = vector.extract_strided_slice %select_n3A_158 {offsets = [256, 0], sizes = [256, 2048], strides = [1, 1]} : vector<512x2048xi32> to vector<256x2048xi32>
      %select_n3A_167 = arith.select %le3A_161, %slice3A_165, %slice3A_166 : vector<256x2048xi1>, vector<256x2048xi32>
      %slice3A_168 = vector.extract_strided_slice %select_n3A_164 {offsets = [0, 0], sizes = [128, 2048], strides = [1, 1]} : vector<256x2048xf32> to vector<128x2048xf32>
      %slice3A_169 = vector.extract_strided_slice %select_n3A_164 {offsets = [128, 0], sizes = [128, 2048], strides = [1, 1]} : vector<256x2048xf32> to vector<128x2048xf32>
      %le3A_170 = arith.cmpf ole, %slice3A_168, %slice3A_169 : vector<128x2048xf32>
      %slice3A_171 = vector.extract_strided_slice %select_n3A_164 {offsets = [0, 0], sizes = [128, 2048], strides = [1, 1]} : vector<256x2048xf32> to vector<128x2048xf32>
      %slice3A_172 = vector.extract_strided_slice %select_n3A_164 {offsets = [128, 0], sizes = [128, 2048], strides = [1, 1]} : vector<256x2048xf32> to vector<128x2048xf32>
      %select_n3A_173 = arith.select %le3A_170, %slice3A_171, %slice3A_172 : vector<128x2048xi1>, vector<128x2048xf32>
      %slice3A_174 = vector.extract_strided_slice %select_n3A_167 {offsets = [0, 0], sizes = [128, 2048], strides = [1, 1]} : vector<256x2048xi32> to vector<128x2048xi32>
      %slice3A_175 = vector.extract_strided_slice %select_n3A_167 {offsets = [128, 0], sizes = [128, 2048], strides = [1, 1]} : vector<256x2048xi32> to vector<128x2048xi32>
      %select_n3A_176 = arith.select %le3A_170, %slice3A_174, %slice3A_175 : vector<128x2048xi1>, vector<128x2048xi32>
      %slice3A_177 = vector.extract_strided_slice %select_n3A_173 {offsets = [0, 0], sizes = [64, 2048], strides = [1, 1]} : vector<128x2048xf32> to vector<64x2048xf32>
      %slice3A_178 = vector.extract_strided_slice %select_n3A_173 {offsets = [64, 0], sizes = [64, 2048], strides = [1, 1]} : vector<128x2048xf32> to vector<64x2048xf32>
      %le3A_179 = arith.cmpf ole, %slice3A_177, %slice3A_178 : vector<64x2048xf32>
      %slice3A_180 = vector.extract_strided_slice %select_n3A_173 {offsets = [0, 0], sizes = [64, 2048], strides = [1, 1]} : vector<128x2048xf32> to vector<64x2048xf32>
      %slice3A_181 = vector.extract_strided_slice %select_n3A_173 {offsets = [64, 0], sizes = [64, 2048], strides = [1, 1]} : vector<128x2048xf32> to vector<64x2048xf32>
      %select_n3A_182 = arith.select %le3A_179, %slice3A_180, %slice3A_181 : vector<64x2048xi1>, vector<64x2048xf32>
      %slice3A_183 = vector.extract_strided_slice %select_n3A_176 {offsets = [0, 0], sizes = [64, 2048], strides = [1, 1]} : vector<128x2048xi32> to vector<64x2048xi32>
      %slice3A_184 = vector.extract_strided_slice %select_n3A_176 {offsets = [64, 0], sizes = [64, 2048], strides = [1, 1]} : vector<128x2048xi32> to vector<64x2048xi32>
      %select_n3A_185 = arith.select %le3A_179, %slice3A_183, %slice3A_184 : vector<64x2048xi1>, vector<64x2048xi32>
      %slice3A_186 = vector.extract_strided_slice %select_n3A_182 {offsets = [0, 0], sizes = [32, 2048], strides = [1, 1]} : vector<64x2048xf32> to vector<32x2048xf32>
      %slice3A_187 = vector.extract_strided_slice %select_n3A_182 {offsets = [32, 0], sizes = [32, 2048], strides = [1, 1]} : vector<64x2048xf32> to vector<32x2048xf32>
      %le3A_188 = arith.cmpf ole, %slice3A_186, %slice3A_187 : vector<32x2048xf32>
      %slice3A_189 = vector.extract_strided_slice %select_n3A_182 {offsets = [0, 0], sizes = [32, 2048], strides = [1, 1]} : vector<64x2048xf32> to vector<32x2048xf32>
      %slice3A_190 = vector.extract_strided_slice %select_n3A_182 {offsets = [32, 0], sizes = [32, 2048], strides = [1, 1]} : vector<64x2048xf32> to vector<32x2048xf32>
      %select_n3A_191 = arith.select %le3A_188, %slice3A_189, %slice3A_190 : vector<32x2048xi1>, vector<32x2048xf32>
      %slice3A_192 = vector.extract_strided_slice %select_n3A_185 {offsets = [0, 0], sizes = [32, 2048], strides = [1, 1]} : vector<64x2048xi32> to vector<32x2048xi32>
      %slice3A_193 = vector.extract_strided_slice %select_n3A_185 {offsets = [32, 0], sizes = [32, 2048], strides = [1, 1]} : vector<64x2048xi32> to vector<32x2048xi32>
      %select_n3A_194 = arith.select %le3A_188, %slice3A_192, %slice3A_193 : vector<32x2048xi1>, vector<32x2048xi32>
      %slice3A_195 = vector.extract_strided_slice %select_n3A_191 {offsets = [0, 0], sizes = [16, 2048], strides = [1, 1]} : vector<32x2048xf32> to vector<16x2048xf32>
      %slice3A_196 = vector.extract_strided_slice %select_n3A_191 {offsets = [16, 0], sizes = [16, 2048], strides = [1, 1]} : vector<32x2048xf32> to vector<16x2048xf32>
      %le3A_197 = arith.cmpf ole, %slice3A_195, %slice3A_196 : vector<16x2048xf32>
      %slice3A_198 = vector.extract_strided_slice %select_n3A_191 {offsets = [0, 0], sizes = [16, 2048], strides = [1, 1]} : vector<32x2048xf32> to vector<16x2048xf32>
      %slice3A_199 = vector.extract_strided_slice %select_n3A_191 {offsets = [16, 0], sizes = [16, 2048], strides = [1, 1]} : vector<32x2048xf32> to vector<16x2048xf32>
      %select_n3A_200 = arith.select %le3A_197, %slice3A_198, %slice3A_199 : vector<16x2048xi1>, vector<16x2048xf32>
      %slice3A_201 = vector.extract_strided_slice %select_n3A_194 {offsets = [0, 0], sizes = [16, 2048], strides = [1, 1]} : vector<32x2048xi32> to vector<16x2048xi32>
      %slice3A_202 = vector.extract_strided_slice %select_n3A_194 {offsets = [16, 0], sizes = [16, 2048], strides = [1, 1]} : vector<32x2048xi32> to vector<16x2048xi32>
      %select_n3A_203 = arith.select %le3A_197, %slice3A_201, %slice3A_202 : vector<16x2048xi1>, vector<16x2048xi32>
      %slice3A_204 = vector.extract_strided_slice %select_n3A_200 {offsets = [0, 0], sizes = [8, 2048], strides = [1, 1]} : vector<16x2048xf32> to vector<8x2048xf32>
      %slice3A_205 = vector.extract_strided_slice %select_n3A_200 {offsets = [8, 0], sizes = [8, 2048], strides = [1, 1]} : vector<16x2048xf32> to vector<8x2048xf32>
      %le3A_206 = arith.cmpf ole, %slice3A_204, %slice3A_205 : vector<8x2048xf32>
      %slice3A_207 = vector.extract_strided_slice %select_n3A_200 {offsets = [0, 0], sizes = [8, 2048], strides = [1, 1]} : vector<16x2048xf32> to vector<8x2048xf32>
      %slice3A_208 = vector.extract_strided_slice %select_n3A_200 {offsets = [8, 0], sizes = [8, 2048], strides = [1, 1]} : vector<16x2048xf32> to vector<8x2048xf32>
      %select_n3A_209 = arith.select %le3A_206, %slice3A_207, %slice3A_208 : vector<8x2048xi1>, vector<8x2048xf32>
      %slice3A_210 = vector.extract_strided_slice %select_n3A_203 {offsets = [0, 0], sizes = [8, 2048], strides = [1, 1]} : vector<16x2048xi32> to vector<8x2048xi32>
      %slice3A_211 = vector.extract_strided_slice %select_n3A_203 {offsets = [8, 0], sizes = [8, 2048], strides = [1, 1]} : vector<16x2048xi32> to vector<8x2048xi32>
      %select_n3A_212 = arith.select %le3A_206, %slice3A_210, %slice3A_211 : vector<8x2048xi1>, vector<8x2048xi32>
      %reduce_min3A = arith.constant dense<0x7F800000> : vector<2048xf32>
      %reduce_min3A_213 = vector.multi_reduction <minimumf>, %select_n3A_209, %reduce_min3A [0] : vector<8x2048xf32> to vector<2048xf32>
      %broadcast_in_dim3A_214 = vector.shape_cast %reduce_min3A_213 : vector<2048xf32> to vector<1x2048xf32>
      %eq3A = vector.broadcast %broadcast_in_dim3A_214 : vector<1x2048xf32> to vector<8x2048xf32>
      %eq3A_215 = arith.cmpf oeq, %select_n3A_209, %eq3A : vector<8x2048xf32>
      %jit3A = arith.constant 8192 : i32
      %broadcast_in_dim3A_216 = vector.broadcast %jit3A : i32 to vector<8x2048xi32>
      %select_n3A_217 = arith.select %eq3A_215, %select_n3A_212, %broadcast_in_dim3A_216 : vector<8x2048xi1>, vector<8x2048xi32>
      %reduce_min3A_218 = arith.constant dense<2147483647> : vector<2048xi32>
      %reduce_min3A_219 = vector.multi_reduction <minsi>, %select_n3A_217, %reduce_min3A_218 [0] : vector<8x2048xi32> to vector<2048xi32>
      %broadcast_in_dim3A_220 = vector.shape_cast %reduce_min3A_219 : vector<2048xi32> to vector<1x2048xi32>
      %mul3A_221 = arith.constant 2048 : i32
      %mul3A_222 = arith.muli %scan3A_125, %mul3A_221 : i32
      %add3A_223 = vector.broadcast %mul3A_222 : i32 to vector<1x2048xi32>
      %add3A_224 = arith.addi %broadcast_in_dim3A_220, %add3A_223 : vector<1x2048xi32>
      %lt3A = arith.cmpf olt, %broadcast_in_dim3A_214, %scan3A_126 : vector<1x2048xf32>
      %select_n3A_225 = arith.select %lt3A, %broadcast_in_dim3A_214, %scan3A_126 : vector<1x2048xi1>, vector<1x2048xf32>
      %select_n3A_226 = arith.select %lt3A, %add3A_224, %scan3A_127 : vector<1x2048xi1>, vector<1x2048xi32>
      scf.yield %select_n3A_225, %select_n3A_226 : vector<1x2048xf32>, vector<1x2048xi32>
    }
    %scan3A_122 = arith.constant 4 : i32
    %swap3A = arith.constant 0 : index
    %swap3A_123 = arith.constant 0 : index
    %swap3A_124 = vector.load %arg5[%swap3A, %swap3A_123] : memref<1x2048xi32, #tpu.memory_space<vmem>>, vector<1x2048xi32>
    tpu.vector_store %arg5[%swap3A, %swap3A_123], %scan3A_121#1 {strides = array<i32>} : memref<1x2048xi32, #tpu.memory_space<vmem>>, vector<1x2048xi32>,
    return
  }
  func.func @transform_0(%arg0: i32) -> (i32, i32) {
    %c0_i32 = arith.constant 0 : i32
    %c0_i32_0 = arith.constant 0 : i32
    return %arg0, %c0_i32 : i32, i32
  }
  func.func @transform_1(%arg0: i32) -> (i32, i32) {
    %c0_i32 = arith.constant 0 : i32
    %c0_i32_0 = arith.constant 0 : i32
    %c0_i32_1 = arith.constant 0 : i32
    return %c0_i32, %c0_i32_0 : i32, i32
  }
  func.func @transform_2(%arg0: i32) -> (i32, i32) {
    %c0_i32 = arith.constant 0 : i32
    %c0_i32_0 = arith.constant 0 : i32
    %c0_i32_1 = arith.constant 0 : i32
    return %c0_i32, %c0_i32_0 : i32, i32
  }
  func.func @transform_3(%arg0: i32) -> (i32, i32) {
    %c0_i32 = arith.constant 0 : i32
    %c0_i32_0 = arith.constant 0 : i32
    return %c0_i32, %arg0 : i32, i32
  }
  func.func @transform_4(%arg0: i32) -> (i32, i32) {
    %c0_i32 = arith.constant 0 : i32
    %c0_i32_0 = arith.constant 0 : i32
    return %c0_i32, %arg0 : i32, i32
  }
}

module attributes {stable_mosaic.version = 14 : i64} {
  func.func @_loss_body(%arg0: i32, %arg1: memref<2048x256xf32, #tpu.memory_space<vmem>>, %arg2: memref<2048x256xf32, #tpu.memory_space<vmem>>, %arg3: memref<2x8192xf32, #tpu.memory_space<vmem>>, %arg4: memref<2048x256xf32, #tpu.memory_space<vmem>>, %arg5: memref<4xf32, #tpu.memory_space<smem>>, %arg6: memref<1xf32, #tpu.memory_space<smem>>) attributes {dimension_semantics = [#tpu.dimension_semantics<arbitrary>], iteration_bounds = array<i64: 4>, scalar_prefetch = 0 : i64, scratch_operands = 1 : i64, tpu.core_type = #tpu.core_type<tc>, window_params = [{transform_indices = @transform_0, window_bounds = array<i64: 2048, 256>}, {transform_indices = @transform_1, window_bounds = array<i64: 2048, 256>}, {pipeline_mode = #tpu.pipeline_mode<synchronous>, transform_indices = @transform_2, window_bounds = array<i64: 2, 8192>}, {transform_indices = @transform_3, window_bounds = array<i64: 2048, 256>}, {transform_indices = @transform_4, window_bounds = array<i64: 4>}]} {
    %eq3A = arith.constant 0 : i32
    %eq3A_0 = arith.cmpi eq, %arg0, %eq3A : i32
    %convert_element_type3A = arith.extui %eq3A_0 : i1 to i32
    %cond3A = arith.constant 0 : i32
    %cond3A_1 = arith.cmpi ne, %convert_element_type3A, %cond3A : i32
    scf.if %cond3A_1 {
      %swap3A_23 = arith.constant 0.000000e+00 : f32
      %swap3A_24 = arith.constant 0 : index
      %swap3A_25 = memref.load %arg6[%swap3A_24] : memref<1xf32, #tpu.memory_space<smem>>
      memref.store %swap3A_23, %arg6[%swap3A_24] : memref<1xf32, #tpu.memory_space<smem>>
    } else {
    }
    %get3A = arith.constant 0 : index
    %get3A_2 = arith.constant 0 : index
    %get3A_3 = vector.load %arg1[%get3A, %get3A_2] : memref<2048x256xf32, #tpu.memory_space<vmem>>, vector<2048x256xf32>
    %get3A_4 = arith.constant 0 : index
    %get3A_5 = arith.constant 0 : index
    %get3A_6 = vector.load %arg2[%get3A_4, %get3A_5] : memref<2048x256xf32, #tpu.memory_space<vmem>>, vector<2048x256xf32>
    %sub3A = arith.subf %get3A_6, %get3A_3 : vector<2048x256xf32>
    %add3A = arith.addf %get3A_3, %sub3A : vector<2048x256xf32>
    %swap3A = arith.constant 0 : index
    %swap3A_7 = arith.constant 0 : index
    %swap3A_8 = vector.load %arg4[%swap3A, %swap3A_7] : memref<2048x256xf32, #tpu.memory_space<vmem>>, vector<2048x256xf32>
    tpu.vector_store %arg4[%swap3A, %swap3A_7], %add3A {strides = array<i32>} : memref<2048x256xf32, #tpu.memory_space<vmem>>, vector<2048x256xf32>,
    %get3A_9 = arith.constant 0 : index
    %get3A_10 = memref.load %arg6[%get3A_9] : memref<1xf32, #tpu.memory_space<smem>>
    %mul3A = arith.mulf %sub3A, %sub3A : vector<2048x256xf32>
    %reduce_sum3A = vector.shape_cast %mul3A : vector<2048x256xf32> to vector<1x2048x256xf32>
    %reduce_sum3A_11 = arith.constant dense<0.000000e+00> : vector<1xf32>
    %reduce_sum3A_12 = vector.multi_reduction <add>, %reduce_sum3A, %reduce_sum3A_11 [1, 2] : vector<1x2048x256xf32> to vector<1xf32>
    %reduce_sum3A_13 = vector.shape_cast %reduce_sum3A_12 : vector<1xf32> to vector<1x1x1xf32>
    %reduce_sum3A_14 = vector.extract %reduce_sum3A_13[0, 0, 0] : f32 from vector<1x1x1xf32>
    %add3A_15 = arith.addf %get3A_10, %reduce_sum3A_14 : f32
    %swap3A_16 = arith.constant 0 : index
    %swap3A_17 = memref.load %arg6[%swap3A_16] : memref<1xf32, #tpu.memory_space<smem>>
    memref.store %add3A_15, %arg6[%swap3A_16] : memref<1xf32, #tpu.memory_space<smem>>
    %eq3A_18 = arith.constant 3 : i32
    %eq3A_19 = arith.cmpi eq, %arg0, %eq3A_18 : i32
    %convert_element_type3A_20 = arith.extui %eq3A_19 : i1 to i32
    %cond3A_21 = arith.constant 0 : i32
    %cond3A_22 = arith.cmpi ne, %convert_element_type3A_20, %cond3A_21 : i32
    scf.if %cond3A_22 {
      %get3A_23 = arith.constant 0 : index
      %get3A_24 = arith.constant 0 : index
      %get3A_25 = vector.load %arg3[%get3A_23, %get3A_24] : memref<2x8192xf32, #tpu.memory_space<vmem>>, vector<1x8192xf32>
      %get3A_26 = vector.shape_cast %get3A_25 : vector<1x8192xf32> to vector<8192xf32>
      %get3A_27 = arith.constant 1 : index
      %get3A_28 = arith.constant 0 : index
      %get3A_29 = vector.load %arg3[%get3A_27, %get3A_28] : memref<2x8192xf32, #tpu.memory_space<vmem>>, vector<1x8192xf32>
      %get3A_30 = vector.shape_cast %get3A_29 : vector<1x8192xf32> to vector<8192xf32>
      %add3A_31 = arith.addf %get3A_26, %get3A_30 : vector<8192xf32>
      %mul3A_32 = arith.constant 1.22070313E-4 : f32
      %mul3A_33 = vector.broadcast %mul3A_32 : f32 to vector<8192xf32>
      %mul3A_34 = arith.mulf %add3A_31, %mul3A_33 : vector<8192xf32>
      %add3A_35 = arith.constant 1.000000e-10 : f32
      %add3A_36 = vector.broadcast %add3A_35 : f32 to vector<8192xf32>
      %add3A_37 = arith.addf %mul3A_34, %add3A_36 : vector<8192xf32>
      %log3A = math.log %add3A_37 : vector<8192xf32>
      %mul3A_38 = arith.mulf %add3A_37, %log3A : vector<8192xf32>
      %reduce_sum3A_39 = vector.shape_cast %mul3A_38 : vector<8192xf32> to vector<1x8192xf32>
      %reduce_sum3A_40 = arith.constant dense<0.000000e+00> : vector<1xf32>
      %reduce_sum3A_41 = vector.multi_reduction <add>, %reduce_sum3A_39, %reduce_sum3A_40 [1] : vector<1x8192xf32> to vector<1xf32>
      %reduce_sum3A_42 = vector.shape_cast %reduce_sum3A_41 : vector<1xf32> to vector<1x1xf32>
      %reduce_sum3A_43 = vector.extract %reduce_sum3A_42[0, 0] : f32 from vector<1x1xf32>
      %neg3A = arith.constant 0.000000e+00 : f32
      %neg3A_44 = arith.subf %neg3A, %reduce_sum3A_43 : f32
      %get3A_45 = arith.constant 0 : index
      %get3A_46 = memref.load %arg6[%get3A_45] : memref<1xf32, #tpu.memory_space<smem>>
      %div3A = arith.constant 0x4A000000 : f32
      %div3A_47 = arith.divf %get3A_46, %div3A : f32
      %swap3A_48 = arith.constant 0 : index
      %swap3A_49 = memref.load %arg5[%swap3A_48] : memref<4xf32, #tpu.memory_space<smem>>
      memref.store %div3A_47, %arg5[%swap3A_48] : memref<4xf32, #tpu.memory_space<smem>>
      %mul3A_50 = arith.constant 2.500000e-01 : f32
      %mul3A_51 = arith.mulf %mul3A_50, %div3A_47 : f32
      %swap3A_52 = arith.constant 1 : index
      %swap3A_53 = memref.load %arg5[%swap3A_52] : memref<4xf32, #tpu.memory_space<smem>>
      memref.store %mul3A_51, %arg5[%swap3A_52] : memref<4xf32, #tpu.memory_space<smem>>
      %log3A_54 = arith.constant 8.192000e+03 : f32
      %log3A_55 = math.log %log3A_54 : f32
      %div3A_56 = arith.divf %neg3A_44, %log3A_55 : f32
      %mul3A_57 = arith.constant -1.000000e-01 : f32
      %mul3A_58 = arith.mulf %mul3A_57, %div3A_56 : f32
      %swap3A_59 = arith.constant 2 : index
      %swap3A_60 = memref.load %arg5[%swap3A_59] : memref<4xf32, #tpu.memory_space<smem>>
      memref.store %mul3A_58, %arg5[%swap3A_59] : memref<4xf32, #tpu.memory_space<smem>>
      %exp3A = math.exp %neg3A_44 : f32
      %swap3A_61 = arith.constant 3 : index
      %swap3A_62 = memref.load %arg5[%swap3A_61] : memref<4xf32, #tpu.memory_space<smem>>
      memref.store %exp3A, %arg5[%swap3A_61] : memref<4xf32, #tpu.memory_space<smem>>
    } else {
    }
    return
  }
  func.func @transform_0(%arg0: i32) -> (i32, i32) {
    %c0_i32 = arith.constant 0 : i32
    %c0_i32_0 = arith.constant 0 : i32
    return %arg0, %c0_i32 : i32, i32
  }
  func.func @transform_1(%arg0: i32) -> (i32, i32) {
    %c0_i32 = arith.constant 0 : i32
    %c0_i32_0 = arith.constant 0 : i32
    return %arg0, %c0_i32 : i32, i32
  }
  func.func @transform_2(%arg0: i32) -> (i32, i32) {
    %c0_i32 = arith.constant 0 : i32
    %c0_i32_0 = arith.constant 0 : i32
    %c0_i32_1 = arith.constant 0 : i32
    return %c0_i32, %c0_i32_0 : i32, i32
  }
  func.func @transform_3(%arg0: i32) -> (i32, i32) {
    %c0_i32 = arith.constant 0 : i32
    %c0_i32_0 = arith.constant 0 : i32
    return %arg0, %c0_i32 : i32, i32
  }
  func.func @transform_4(%arg0: i32) -> i32 {
    %c0_i32 = arith.constant 0 : i32
    %c0_i32_0 = arith.constant 0 : i32
    return %c0_i32 : i32
  }
}

</mosaic_0001>

<sc_bundles>
// kernel: gather_offload_async_start
scs
__scs_entry_jumppad:
0x0: {  	(pc) =	sbr.rel $0x88, $3  }
0x1: {  	(tag) =	ssettag $0x0;
	lr =	simm.s32 $0x1  }
0x2: {  	[smem:$0x3F9F] =	sst lr;
	_ =	strace $0xD0000000  }
0x3: {  	_ = 	snop  }
0x4: {  	_ = 	snop  }
0x5: {  	_ = 	snop  }
0x6: {  	_ = 	snop  }
0x7: {  	_ = 	snop  }
__scs_overlays_trampoline_lowered:
0x8: {  	[smem:$0x3FAE] =	sst s0  }
0x9: {  	[smem:$0x3FAF] =	sst s1  }
0xa: {  	[smem:$0x3FB0] =	sst s2  }
0xb: {  	[smem:$0x3FB1] =	sst s3  }
0xc: {  	[smem:$0x3FB2] =	sst s4  }
0xd: {  	[smem:$0x3FB3] =	sst s5  }
0xe: {  	[smem:$0x3FB4] =	sst s6  }
0xf: {  	[smem:$0x3FB5] =	sst s7  }
0x10: {  	[smem:$0x3FB6] =	sst s8  }
0x11: {  	[smem:$0x3FB7] =	sst s9;
	s0 =	simm.s32 @!p0 $0x0  }
0x12: {  	s1 =	sld [smem:$0x3F9D];
	s0 =	simm.s32 @p0 $0x1  }
0x13: {  	[smem:$0x3FB8] =	sst s0;
	s0 =	simm.s32 @!p1 $0x0  }
0x14: {  	s2 =	sld [smem:$0x3F9C];
	s0 =	simm.s32 @p1 $0x1  }
0x15: {  	[smem:$0x3FB9] =	sst s0;
	s0 =	simm.s32 @!p2 $0x0  }
0x16: {  	s3 =	sld [smem:$0x3FDB];
	s0 =	simm.s32 @p2 $0x1  }
0x17: {  	s4 =	simm.s32 $0x1BF5;
	[smem:$0x3FBB] =	sst s0  }
0x18: {  	s0 =	sld [smem:$0x3F9E];
	_ =	swait.ge [sflag:s4], $0x0  }
0x19: {  	s7 =	sld [smem:$0x3F9F]  }
0x1a: {  	s8 =	sadd.s32 $0xFFFFE003, lr  }
0x1b: {  	s9 =	sadd.s32 $0xFFFFFEF7, lr;
	s5 =	simm.s32 $0xFFFFFFFF;
	p2 =	slt.u32 s8, $0xFFFFF086  }
0x1c: {  	p1 =	slt.u32 s9, $0xF7A;
	s5 =	simm.s32 @!p2 $0x0  }
0x1d: {  	s5 =	simm.s32 @p1 $0x1;
	p0 =	seq.s32 s7, s2  }
0x1e: {  	s7 =	smul.u32 @!p0 $0xF7A, s2;
	p2 =	seq.s32 @!p0 s5, $0x0  }
0x1f: {  	s9 =	smul.u32 $0xF7A, s1;
	s8 =	simm.s32 @!p0 $0x1BF5;
	p2 =	por !p2, p0  }
0x20: {  	[sflag:s8] =	ssyncset.s32 @!p0 $0xFFFFF086;
	s6 =	sadd.s32 @!p0 s3, s7;
	s7 =	simm.s32 @!p0 $0x108  }
0x21: {  	s3 =	sadd.s32 s3, s9;
	s6 =	sadd.s32 @!p0 $0x88, s6;
	s7 =	simm.s32 @p2 $0x1082  }
0x22: {  	[simem:s7], [sflag:s8] =	dma.local @!p0 [hbm:s6], $0xF7A  }
0x23: {  	s9 =	sor.u32 $0xD0000000, s2;
	s6 =	simm.s32 $0x108;
	_ =	swait.ge @!p0 [sflag:s8], $0x0  }
0x24: {  	s3 =	sadd.s32 $0x88, s3;
	s6 =	simm.s32 @!p1 $0x1082;
	[sflag:s4] =	ssyncset.s32 $0xFFFFF086  }
0x25: {  	[simem:s6], [sflag:s4] =	dma.local [hbm:s3], $0xF7A  }
0x26: {  	[smem:$0x3F9F] =	sst s1;
	(tag) =	ssettag s2;
	_ =	strace s9  }
0x27: {  	s1 =	sld [smem:$0x3FAF]  }
0x28: {  	s2 =	sld [smem:$0x3FB0]  }
0x29: {  	s4 =	sld [smem:$0x3FB2]  }
0x2a: {  	p0 =	seq.s32 s5, $0x0;
	s5 =	sld [smem:$0x3FB3]  }
0x2b: {  	s6 =	sld [smem:$0x3FB4]  }
0x2c: {  	s7 =	sld [smem:$0x3FB5]  }
0x2d: {  	s3 =	simm.s32 $0x108;
	s8 =	sld [smem:$0x3FB6]  }
0x2e: {  	s3 =	simm.s32 @!p0 $0x1082;
	s9 =	sld [smem:$0x3FB7]  }
0x2f: {  	lr =	sadd.s32 s0, s3;
	s0 =	sld [smem:$0x3FAE]  }
0x30: {  	s3 =	sld [smem:$0x3FB1]  }
0x31: {  	[smem:$0x3FBA] =	sst s10  }
0x32: {  	s10 =	sld [smem:$0x3FB8];
	_ =	sdelay $0x3  }
0x33: {  	p0 =	seq.s32 s10, $0x1;
	s10 =	sld [smem:$0x3FBA];
	_ =	sdelay $0x3  }
0x34: {  	[smem:$0x3FBA] =	sst s10  }
0x35: {  	s10 =	sld [smem:$0x3FB9];
	_ =	sdelay $0x3  }
0x36: {  	p1 =	seq.s32 s10, $0x1;
	s10 =	sld [smem:$0x3FBA];
	_ =	sdelay $0x3  }
0x37: {  	[smem:$0x3FBA] =	sst s10  }
0x38: {  	s10 =	sld [smem:$0x3FBB]  }
0x39: {  	_ = 	snop;
	(pc) =	sbr.ind lr, $3  }
0x3a: {  	_ = 	snop  }
0x3b: {  	_ = 	snop  }
0x3c: {  	p2 =	seq.s32 s10, $0x1;
	s10 =	sld [smem:$0x3FBA]  }
0x3d: {  	_ =	shalt  }
0x3e: {  	_ =	shalt  }
0x3f: {  	_ =	shalt  }
0x40: {  	_ =	shalt  }
0x41: {  	_ =	shalt  }
0x42: {  	_ =	shalt  }
0x43: {  	_ =	shalt  }
0x44: {  	_ =	shalt  }
0x45: {  	_ =	shalt  }
0x46: {  	_ =	shalt  }
0x47: {  	_ =	shalt  }
0x48: {  	_ =	shalt  }
0x49: {  	_ =	shalt  }
0x4a: {  	_ =	shalt  }
0x4b: {  	_ =	shalt  }
0x4c: {  	_ =	shalt  }
0x4d: {  	_ =	shalt  }
0x4e: {  	_ =	shalt  }
0x4f: {  	_ =	shalt  }
0x50: {  	_ =	shalt  }
0x51: {  	_ =	shalt  }
0x52: {  	_ =	shalt  }
0x53: {  	_ =	shalt  }
0x54: {  	_ =	shalt  }
0x55: {  	_ =	shalt  }
0x56: {  	_ =	shalt  }
0x57: {  	_ =	shalt  }
0x58: {  	_ =	shalt  }
0x59: {  	_ =	shalt  }
0x5a: {  	_ =	shalt  }
0x5b: {  	_ =	shalt  }
0x5c: {  	_ =	shalt  }
0x5d: {  	_ =	shalt  }
0x5e: {  	_ =	shalt  }
0x5f: {  	_ =	shalt  }
0x60: {  	_ =	shalt  }
0x61: {  	_ =	shalt  }
0x62: {  	_ =	shalt  }
0x63: {  	_ =	shalt  }
0x64: {  	_ =	shalt  }
0x65: {  	_ =	shalt  }
0x66: {  	_ =	shalt  }
0x67: {  	_ =	shalt  }
0x68: {  	_ =	shalt  }
0x69: {  	_ =	shalt  }
0x6a: {  	_ =	shalt  }
0x6b: {  	_ =	shalt  }
0x6c: {  	_ =	shalt  }
0x6d: {  	_ =	shalt  }
0x6e: {  	_ =	shalt  }
0x6f: {  	_ =	shalt  }
0x70: {  	_ =	shalt  }
0x71: {  	_ =	shalt  }
0x72: {  	_ =	shalt  }
0x73: {  	_ =	shalt  }
0x74: {  	_ =	shalt  }
0x75: {  	_ =	shalt  }
0x76: {  	_ =	shalt  }
0x77: {  	_ =	shalt  }
0x78: {  	_ =	shalt  }
0x79: {  	_ =	shalt  }
0x7a: {  	_ =	shalt  }
0x7b: {  	_ =	shalt  }
0x7c: {  	_ =	shalt  }
0x7d: {  	_ =	shalt  }
0x7e: {  	_ =	shalt  }
0x7f: {  	_ =	shalt  }
0x80: {  	_ =	shalt  }
0x81: {  	_ =	shalt  }
0x82: {  	_ =	shalt  }
0x83: {  	_ =	shalt  }
0x84: {  	_ =	shalt  }
0x85: {  	_ =	shalt  }
0x86: {  	_ =	shalt  }
0x87: {  	_ =	shalt  }
.Lfunc_end0:
.L_simem_size_0:
called_computation_lowered:
.L_overlay_start_0:
0x88: {  	s2 =	sld [smem:$0x3FD9]  }
0x89: {  	s3 =	sld [smem:$0x3FFE];
	_ =	sdelay $0x1  }
0x8a: {  	s1 =	srdreg.scid  }
0x8b: {  	s0 =	sand.u32 $0x1, s1  }
0x8c: {  	s15 =	sshll.u32 s0, $0xA;
	s2 =	sadd.s32 s3, s2  }
0x8d: {  	s2 =	sadd.s32 s2, s15  }
0x8e: {  	[smem:$0x3FC6] =	sst s2  }
0x8f: {  	_ = 	snop  }
0x90: {  	s2 =	sld [smem:$0x3FD0];
	_ =	sdelay $0x2  }
0x91: {  	s4 =	simm.s32 $0xA;
	s5 =	simm.s32 $0x10;
	s16 =	sld [smem:$0x3FC8]  }
0x92: {  	[smem:s5], [sflag:s4] =	dma.local [hbm:s2], $0x1  }
0x93: {  	_ =	swait.eq [sflag:s4], $0x1  }
0x94: {  	[sflag:s4] =	ssyncset.done $0x0  }
0x95: {  	s17 =	sld [smem:$0x10];
	[sflag:s4] =	ssyncadd.s32 $0xFFFFFFFF  }
0x96: {  	s18 =	sld [smem:$0x11];
	(tm) =	ssettm $0x1  }
0x97: {  	s19 =	sld [smem:$0x3FFB];
	_ =	sdelay $0x3  }
0x98: {  	_ =	strace s19  }
0x99: {  	s5 =	sld [smem:$0x3FFC];
	_ =	sdelay $0x3  }
0x9a: {  	_ =	strace s5  }
0x9b: {  	s5 =	sld [smem:$0x3FFD];
	_ =	sdelay $0x3  }
0x9c: {  	_ =	strace s5  }
0x9d: {  	_ =	strace $0x8FFFFFFF  }
0x9e: {  	s20 =	sld [smem:$0x3FDB];
	_ =	sdelay $0x1  }
0x9f: {  	s6 =	simm.s32 $_scs_section_size  }
0xa0: {  	s7 =	simm.s32 $_size__tile_overlayer_lowered;
	s8 =	simm.s32 $_tile_overlayer_lowered  }
0xa1: {  	s23 =	simm.s32 $0x1BFF;
	s22 =	sshll.u32 s8, $0x1;
	s5 =	sadd.s32 s6, s20  }
0xa2: {  	s9 =	simm.s32 $0x0;
	s21 =	sshll.u32 s7, $0x1;
	s7 =	sadd.s32 s22, s5  }
0xa3: {  	[timem:s9], [sflag:s23] =	dma.local [hbm:s7], s21  }
0xa4: {  	_ =	swait.ge [sflag:s23], s21  }
0xa5: {  	s6 =	ssub.s32 $0x0, s21;
	[sflag:s23] =	ssyncset.done $0x0  }
0xa6: {  	[sflag:s23] =	ssyncadd.s32 s6;
	_ =	sdelay $0x1  }
0xa7: {  	s24 =	simm.s32 $0x1B8B  }
0xa8: {  	_ =	swait.ge [sflag:s24], $0x1  }
0xa9: {  	[sflag:s24] =	ssyncset.done $0x0  }
0xaa: {  	s25 =	simm.s32 $0x1B8E;
	[sflag:s24] =	ssyncadd.s32 $0xFFFFFFFF  }
0xab: {  	s26 =	simm.s32 $execute0_lowered;
	[smem:$0x3FD2] =	sst s25  }
0xac: {  	s6 =	sshll.u32 s26, $0x1;
	_ =	strace $0x80000046;
	[dreg:$0x1] =	wrdreg $0xFFFFFFFF  }
0xad: {  	s28 =	simm.s32 $_size_execute0_lowered;
	s5 =	sadd.s32 s5, s6;
	[dreg:$0x0] =	wrdreg $0x0  }
0xae: {  	s6 =	sshll.u32 s28, $0x1;
	[dreg:$0x2] =	wrdreg s5  }
0xaf: {  	[dreg:$0x3] =	wrdreg s6  }
0xb0: {  	[dreg:$0x4] =	wrdreg $0xC0  }
0xb1: {  	_ =	task [dreg:s9], $0x5FFFF  }
0xb2: {  	[dreg:$0x1] =	wrdreg $0xFFFFFFFF  }
0xb3: {  	[dreg:$0x0] =	wrdreg $0x60  }
0xb4: {  	[dreg:$0x2] =	wrdreg s16  }
0xb5: {  	[dreg:$0x3] =	wrdreg s18  }
0xb6: {  	[dreg:$0x4] =	wrdreg s17  }
0xb7: {  	[dreg:$0x5] =	wrdreg $0x9  }
0xb8: {  	_ =	task.clear_ibuf [dreg:s9], $0x6FFFF;
	_ =	strace $0x90000046  }
0xb9: {  	s29 =	simm.s32 $0x9;
	_ =	strace $0x80000048  }
0xba: {  	_ =	swait.ge [sflag:s29], $0x1  }
0xbb: {  	[sflag:s29] =	ssyncadd.s32 $0xFFFFFFFF  }
0xbc: {  	_ =	strace $0x90000048  }
0xbd: {  	_ =	sfence  }
0xbe: {  	s30 =	sld [smem:$0x0];
	_ =	sdelay $0x2  }
0xbf: {  	s31 =	sshll.u32 s1, $0xD;
	s1 =	sshrl.u32 s1, $0x2  }
0xc0: {  	s3 =	sand.u32 $0x4000, s31;
	s1 =	sadd.s32 s1, s30  }
0xc1: {  	s0 =	sor.u32 s3, s0;
	s1 =	sshll.u32 s1, $0x11  }
0xc2: {  	s0 =	sor.u32 s1, s0  }
0xc3: {  	s0 =	sadd.s32 $0x8F2B, s0  }
0xc4: {  	[sflag:s0] =	ssyncadd.remote.s32 $0x1  }
0xc5: {  	_ =	sfence.sel $0xFFFF  }
0xc6: {  	[dreg:$0x0] =	wrdreg $0xFFFFFFFF;
	(pc) =	sbr.abs _section_cstart, $3  }
0xc7: {  	[dreg:$0x1] =	wrdreg $0xFFFFFFFF  }
0xc8: {  	_ =	task.clear_ibuf [dreg:s9], $0x2FFFF;
	_ =	strace $0x9FFFFFFF  }
0xc9: {  	(tm) =	ssettm $0x7FFFFFFF  }
tec
execute0_lowered:
.L_overlay_start_1:
0x0: {  	(tag) =	ssettag $0x1  }
0x1: {  	s2 =	rddreg [dreg:$0x0]  }
0x2: {  	s3 =	rddreg [dreg:$0x1]  }
0x3: {  	s4 =	rddreg [dreg:$0x2]  }
0x4: {  	s0 =	rddreg [dreg:$0x3];
	s1 =	srdreg.scid  }
0x5: {  	_ =	strace $0x80000047;
	s5 =	simm.s32 $0x1;
	s6 =	sshll.u32 s1, $0x4  }
.Ltmp0:
0x6: {  	s1 =	stileid.u32;
	s6 =	sand.u32 $0x10, s6;
	(pc) =	sbr.rel .LBB2_1-.Ltmp0, $4  }
0x7: {  	s9 =	simm.s32 $0x3;
	s11 =	simm.s32 $0x0;
	s7 =	sor.u32 s1, s6  }
0x8: {  	[sflag:s5] =	ssyncpa.u1 $0x0;
	s6 =	simm.s32 $0x2;
	s7 =	sshll.u32 s7, $0x8  }
0x9: {  	p0 =	por $0x0, $0x0;
	[sflag:s6] =	ssyncpa.u1 $0x0;
	s8 =	sadd.s32 $0x100, s7  }
0xa: {  	vm0 =	vmmov $0xff;
	vm1 =	vcmask $0x3F20;
	[sflag:s9] =	ssyncpa.u1 $0x0;
	s10 =	smov.u32 s7;
	s9 =	simm.s32 $0x0  }
.LBB2_8:
0xb: {  	[hbm:s15] =	stream.linear.scatter [tilespmem:s12], [sflag:$0x3], $0x800, $0x38;
	[tilespmem:$0x10100] =	vst v63  }
.LBB2_9:
0xc: {  	p1 =	slt.u32 s9, $0x2;
	s11 =	sadd.s32 $0x80, s10  }
0xd: {  	s13 =	smov.u32 s7;
	s9 =	sadd.s32 $0x1, s9;
	p2 =	slt.s32 s11, s8  }
0xe: {  	s13 =	smov.u32 @p2 s11;
	p2 =	sne.s32 s9, $0x4  }
.Ltmp1:
0xf: {  	_ = 	snop;
	(pc) =	sbr.rel @!p2 .LBB2_10-.Ltmp1, $4  }
0x10: {  	s12 =	simm.s32 @!p1 $0x3  }
0x11: {  	_ =	swait.ge @!p1 [sflag:s12], $0x8000  }
0x12: {  	p0 =	por !p0, !p0;
	[sflag:s12] =	ssyncset.done @!p1 $0x0  }
0x13: {  	s11 =	smov.u32 s10;
	s10 =	smov.u32 s13;
	[sflag:s12] =	ssyncadd.s32 @!p1 $0xFFFF8000  }
.LBB2_1:
0x14: {  	p1 =	sgt.u32 s9, $0x1  }
0x15: {  	s12 =	sshll.u32 @!p1 s9, $0x7;
	s13 =	sshrl.u32 @!p1 s10, $0x3  }
0x16: {  	s14 =	sand.u32 @!p1 $0x7, s10;
	s12 =	sxor.u32 @!p1 $0x80, s12;
	s13 =	sadd.s32 @!p1 s3, s13  }
0x17: {  	[tilespmem:s12], [sflag:$0x2] =	stream.linear.gather @!p1 [hbm4b:s13+s14], $0x80, $0x38;
	[tilespmem:$0x10100] =	vst v63  }
0x18: {  	p1 =	seq.s32 s9, $0x0  }
0x19: {  	p2 =	seq.s32 @!p1 s9, $0x3  }
0x1a: {  	p1 =	por p1, p2  }
.Ltmp2:
0x1b: {  	_ = 	snop;
	(pc) =	sbr.rel @p1 .LBB2_9-.Ltmp2, $1  }
0x1c: {  	_ =	sdelay $0x3  }
0x1d: {  	s12 =	simm.s32 $0x1;
	_ =	swait.ge [sflag:s6], $0x80;
	s13 =	sand.u32 $0x1, s9  }
0x1e: {  	s15 =	simm.s32 $0x0;
	s12 =	simm.s32 @!p0 $0x0;
	[sflag:s6] =	ssyncset.done $0x0  }
0x1f: {  	s14 =	sshll.u32 s13, $0xF;
	s13 =	sshll.u32 s13, $0x7;
	s12 =	sshll.u32 s12, $0xF  }
0x20: {  	[sflag:s6] =	ssyncadd.s32 $0xFFFFFF80;
	s14 =	sor.u32 $0x100, s14;
	s12 =	sor.u32 $0x100, s12  }
.LBB2_3:
0x21: {  	s16 =	sshll.u32 s15, $0x4  }
0x22: {  	s16 =	sand.u32 $0x3FFFFFF0, s16  }
0x23: {  	s16 =	sadd.s32 s16, s13  }
0x24: {  	v0 =	vld.msk [tilespmem:s16+$0x0 ss:$0x1], $0xffff;
	_ =	sdelay $0x4  }
0x25: {  	vm2 =	vgt.s32 v0, $0x0  }
0x26: {  	v0 =	vnsel vm2, $0x0, v0  }
0x27: {  	v0 =	vmin.u32 v0, $0x1FFF  }
0x28: {  	s31 =	sshll.u32 s15, $0xC;
	v1 =	vshll.u32 v0, $0x5;
	v0 =	vshll.u32 v0, $0x4  }
0x29: {  	s16 =	sand.u32 $0x3FFFF000, s31;
	v1 =	vand.u32 $0x3FF00, v1;
	v0 =	vand.u32 $0x70, v0  }
0x2a: {  	p1 =	por $0x1, $0x1;
	s17 =	simm.s32 $0x0;
	s16 =	sadd.s32 s16, s14;
	v0 =	vor.u32 v0, v1  }
.LBB2_4:
0x2b: {  	_ =	sdelay $0x1  }
0x2c: {  	s17 =	sshra.s32 s17, $0x2;
	p2 =	por p1, p1  }
.Ltmp3:
0x2d: {  	s17 =	sadd.s32 s17, s16;
	(pc) =	sbr.rel @p2 .LBB2_4-.Ltmp3, $4  }
0x2e: {  	[tilespmem:s17], [sflag:$0x1] =	stream.indirect_vreg.gather [hbm:s2], $0x80, v0, vm0, $0x38;
	[tilespmem:$0x10100] =	vst v63  }
0x2f: {  	s17 =	sadd.s32 $0x800, s17  }
0x30: {  	[tilespmem:s17], [sflag:$0x1] =	stream.indirect_vreg.gather [hbm:s2], $0x80, v0, vm1, $0x38;
	[tilespmem:$0x10100] =	vst v63  }
0x31: {  	p1 =	por $0x0, $0x0;
	v0 =	vadd.s32 $0x80, v0;
	s17 =	simm.s32 $0x1000  }
0x32: {  	s15 =	sadd.s32 $0x1, s15  }
0x33: {  	p1 =	sne.s32 s15, $0x8  }
.Ltmp4:
0x34: {  	_ = 	snop;
	(pc) =	sbr.rel @p1 .LBB2_3-.Ltmp4, $1  }
0x35: {  	_ =	sdelay $0x3  }
0x36: {  	s13 =	sshll.u32 s11, $0x5  }
0x37: {  	s31 =	sshll.u32 s11, $0x4;
	s13 =	sand.u32 $0xFFFFFF00, s13  }
0x38: {  	_ =	swait.ge [sflag:s5], $0x8000;
	s11 =	sand.u32 $0x70, s31;
	s13 =	sadd.s32 s13, s4  }
0x39: {  	s14 =	sadd.s32 $0x800, s12;
	[sflag:s5] =	ssyncset.done $0x0;
	s11 =	sadd.s32 s11, s13  }
0x3a: {  	[sflag:s5] =	ssyncadd.s32 $0xFFFF8000;
	s13 =	simm.s32 $0x100;
	s15 =	sadd.s32 $0x0, s11  }
.LBB2_7:
0x3b: {  	[hbm:s15] =	stream.linear.scatter [tilespmem:s12], [sflag:$0x3], $0x800, $0x38;
	[tilespmem:$0x10100] =	vst v63  }
0x3c: {  	s15 =	smov.u32 s13;
	s12 =	smov.u32 s14;
	p1 =	sne.s32 s13, $0xF00  }
.Ltmp5:
0x3d: {  	s13 =	sadd.s32 $0x100, s13;
	(pc) =	sbr.rel @p1 .LBB2_7-.Ltmp5, $2  }
0x3e: {  	_ =	sdelay $0x2  }
0x3f: {  	s14 =	sadd.s32 $0x800, s14;
	s15 =	sadd.s32 s15, s11  }
.Ltmp6:
0x40: {  	_ = 	snop;
	(pc) =	sbr.rel .LBB2_8-.Ltmp6, $1  }
0x41: {  	_ =	sdelay $0x3  }
.LBB2_10:
0x42: {  	_ =	sfence.sel $0x180000  }
0x43: {  	s2 =	simm.s32 $0x2;
	[bflag:$0x0] =	sbarrier.arrive $0xFFFF  }
0x44: {  	s30 =	simm.s32 $0x3;
	[sflag:s2] =	ssyncpa.u1 $0x1  }
0x45: {  	s31 =	simm.s32 $0x1;
	[sflag:s30] =	ssyncpa.u1 $0x1  }
0x46: {  	[sflag:s31] =	ssyncpa.u1 $0x1  }
0x47: {  	p0 =	sne.s32 s1, $0x0;
	_ =	strace $0x90000047  }
0x48: {  	s0 =	sadd.s32 @!p0 $0x100000, s0;
	[bflag:$0x2] =	sbarrier.arrive $0xFFFF  }
0x49: {  	[sflag:s0] =	ssyncadd.tile.s32 @!p0 $0x1;
	_ =	shalt  }
.Lfunc_end2:
_tile_overlayer_lowered:
.L_overlay_start_2:
0x4a: {  	(tag) =	ssettag $0x2  }
0x4b: {  	s0 =	rddreg [dreg:$0x0];
	s2 =	stileid.u32  }
0x4c: {  	s1 =	rddreg [dreg:$0x1];
	p0 =	sne.s32 s2, $0x0  }
0x4d: {  	s3 =	rddreg [dreg:$0x2];
	[bflag:$0x3] =	sbarrier.arrive $0xFFFF;
	s2 =	simm.s32 @!p0 $0x1C01  }
0x4e: {  	[timem:s3], [sflag:s2] =	dma.local @!p0 [hbm:s0], s1  }
0x4f: {  	s0 =	simm.s32 @!p0 $0x1  }
0x50: {  	_ =	swait.ge @!p0 [sflag:s0], s1  }
0x51: {  	s1 =	ssub.s32 @!p0 $0x0, s1;
	[sflag:s0] =	ssyncset.done @!p0 $0x0  }
0x52: {  	[sflag:s0] =	ssyncadd.s32 @!p0 s1  }
0x53: {  	[bflag:$0x3] =	sbarrier.arrive $0xFFFF  }
0x54: {  	_ =	shalt  }

// kernel: kernel.5.cloned.1.call-start
scs
__scs_entry_jumppad:
0x0: {  	(pc) =	sbr.rel $0x88, $3  }
0x1: {  	(tag) =	ssettag $0x0;
	lr =	simm.s32 $0x1  }
0x2: {  	[smem:$0x3F9F] =	sst lr;
	_ =	strace $0xD0000000  }
0x3: {  	_ = 	snop  }
0x4: {  	_ = 	snop  }
0x5: {  	_ = 	snop  }
0x6: {  	_ = 	snop  }
0x7: {  	_ = 	snop  }
__scs_overlays_trampoline_lowered:
0x8: {  	[smem:$0x3FAE] =	sst s0  }
0x9: {  	[smem:$0x3FAF] =	sst s1  }
0xa: {  	[smem:$0x3FB0] =	sst s2  }
0xb: {  	[smem:$0x3FB1] =	sst s3  }
0xc: {  	[smem:$0x3FB2] =	sst s4  }
0xd: {  	[smem:$0x3FB3] =	sst s5  }
0xe: {  	[smem:$0x3FB4] =	sst s6  }
0xf: {  	[smem:$0x3FB5] =	sst s7  }
0x10: {  	[smem:$0x3FB6] =	sst s8  }
0x11: {  	[smem:$0x3FB7] =	sst s9;
	s0 =	simm.s32 @!p0 $0x0  }
0x12: {  	s1 =	sld [smem:$0x3F9D];
	s0 =	simm.s32 @p0 $0x1  }
0x13: {  	[smem:$0x3FB8] =	sst s0;
	s0 =	simm.s32 @!p1 $0x0  }
0x14: {  	s2 =	sld [smem:$0x3F9C];
	s0 =	simm.s32 @p1 $0x1  }
0x15: {  	[smem:$0x3FB9] =	sst s0;
	s0 =	simm.s32 @!p2 $0x0  }
0x16: {  	s3 =	sld [smem:$0x3FDB];
	s0 =	simm.s32 @p2 $0x1  }
0x17: {  	s4 =	simm.s32 $0x1BF5;
	[smem:$0x3FBB] =	sst s0  }
0x18: {  	s0 =	sld [smem:$0x3F9E];
	_ =	swait.ge [sflag:s4], $0x0  }
0x19: {  	s7 =	sld [smem:$0x3F9F]  }
0x1a: {  	s8 =	sadd.s32 $0xFFFFE003, lr  }
0x1b: {  	s9 =	sadd.s32 $0xFFFFFEF7, lr;
	s5 =	simm.s32 $0xFFFFFFFF;
	p2 =	slt.u32 s8, $0xFFFFF086  }
0x1c: {  	p1 =	slt.u32 s9, $0xF7A;
	s5 =	simm.s32 @!p2 $0x0  }
0x1d: {  	s5 =	simm.s32 @p1 $0x1;
	p0 =	seq.s32 s7, s2  }
0x1e: {  	s7 =	smul.u32 @!p0 $0xF7A, s2;
	p2 =	seq.s32 @!p0 s5, $0x0  }
0x1f: {  	s9 =	smul.u32 $0xF7A, s1;
	s8 =	simm.s32 @!p0 $0x1BF5;
	p2 =	por !p2, p0  }
0x20: {  	[sflag:s8] =	ssyncset.s32 @!p0 $0xFFFFF086;
	s6 =	sadd.s32 @!p0 s3, s7;
	s7 =	simm.s32 @!p0 $0x108  }
0x21: {  	s3 =	sadd.s32 s3, s9;
	s6 =	sadd.s32 @!p0 $0x88, s6;
	s7 =	simm.s32 @p2 $0x1082  }
0x22: {  	[simem:s7], [sflag:s8] =	dma.local @!p0 [hbm:s6], $0xF7A  }
0x23: {  	s9 =	sor.u32 $0xD0000000, s2;
	s6 =	simm.s32 $0x108;
	_ =	swait.ge @!p0 [sflag:s8], $0x0  }
0x24: {  	s3 =	sadd.s32 $0x88, s3;
	s6 =	simm.s32 @!p1 $0x1082;
	[sflag:s4] =	ssyncset.s32 $0xFFFFF086  }
0x25: {  	[simem:s6], [sflag:s4] =	dma.local [hbm:s3], $0xF7A  }
0x26: {  	[smem:$0x3F9F] =	sst s1;
	(tag) =	ssettag s2;
	_ =	strace s9  }
0x27: {  	s1 =	sld [smem:$0x3FAF]  }
0x28: {  	s2 =	sld [smem:$0x3FB0]  }
0x29: {  	s4 =	sld [smem:$0x3FB2]  }
0x2a: {  	p0 =	seq.s32 s5, $0x0;
	s5 =	sld [smem:$0x3FB3]  }
0x2b: {  	s6 =	sld [smem:$0x3FB4]  }
0x2c: {  	s7 =	sld [smem:$0x3FB5]  }
0x2d: {  	s3 =	simm.s32 $0x108;
	s8 =	sld [smem:$0x3FB6]  }
0x2e: {  	s3 =	simm.s32 @!p0 $0x1082;
	s9 =	sld [smem:$0x3FB7]  }
0x2f: {  	lr =	sadd.s32 s0, s3;
	s0 =	sld [smem:$0x3FAE]  }
0x30: {  	s3 =	sld [smem:$0x3FB1]  }
0x31: {  	[smem:$0x3FBA] =	sst s10  }
0x32: {  	s10 =	sld [smem:$0x3FB8];
	_ =	sdelay $0x3  }
0x33: {  	p0 =	seq.s32 s10, $0x1;
	s10 =	sld [smem:$0x3FBA];
	_ =	sdelay $0x3  }
0x34: {  	[smem:$0x3FBA] =	sst s10  }
0x35: {  	s10 =	sld [smem:$0x3FB9];
	_ =	sdelay $0x3  }
0x36: {  	p1 =	seq.s32 s10, $0x1;
	s10 =	sld [smem:$0x3FBA];
	_ =	sdelay $0x3  }
0x37: {  	[smem:$0x3FBA] =	sst s10  }
0x38: {  	s10 =	sld [smem:$0x3FBB]  }
0x39: {  	_ = 	snop;
	(pc) =	sbr.ind lr, $3  }
0x3a: {  	_ = 	snop  }
0x3b: {  	_ = 	snop  }
0x3c: {  	p2 =	seq.s32 s10, $0x1;
	s10 =	sld [smem:$0x3FBA]  }
0x3d: {  	_ =	shalt  }
0x3e: {  	_ =	shalt  }
0x3f: {  	_ =	shalt  }
0x40: {  	_ =	shalt  }
0x41: {  	_ =	shalt  }
0x42: {  	_ =	shalt  }
0x43: {  	_ =	shalt  }
0x44: {  	_ =	shalt  }
0x45: {  	_ =	shalt  }
0x46: {  	_ =	shalt  }
0x47: {  	_ =	shalt  }
0x48: {  	_ =	shalt  }
0x49: {  	_ =	shalt  }
0x4a: {  	_ =	shalt  }
0x4b: {  	_ =	shalt  }
0x4c: {  	_ =	shalt  }
0x4d: {  	_ =	shalt  }
0x4e: {  	_ =	shalt  }
0x4f: {  	_ =	shalt  }
0x50: {  	_ =	shalt  }
0x51: {  	_ =	shalt  }
0x52: {  	_ =	shalt  }
0x53: {  	_ =	shalt  }
0x54: {  	_ =	shalt  }
0x55: {  	_ =	shalt  }
0x56: {  	_ =	shalt  }
0x57: {  	_ =	shalt  }
0x58: {  	_ =	shalt  }
0x59: {  	_ =	shalt  }
0x5a: {  	_ =	shalt  }
0x5b: {  	_ =	shalt  }
0x5c: {  	_ =	shalt  }
0x5d: {  	_ =	shalt  }
0x5e: {  	_ =	shalt  }
0x5f: {  	_ =	shalt  }
0x60: {  	_ =	shalt  }
0x61: {  	_ =	shalt  }
0x62: {  	_ =	shalt  }
0x63: {  	_ =	shalt  }
0x64: {  	_ =	shalt  }
0x65: {  	_ =	shalt  }
0x66: {  	_ =	shalt  }
0x67: {  	_ =	shalt  }
0x68: {  	_ =	shalt  }
0x69: {  	_ =	shalt  }
0x6a: {  	_ =	shalt  }
0x6b: {  	_ =	shalt  }
0x6c: {  	_ =	shalt  }
0x6d: {  	_ =	shalt  }
0x6e: {  	_ =	shalt  }
0x6f: {  	_ =	shalt  }
0x70: {  	_ =	shalt  }
0x71: {  	_ =	shalt  }
0x72: {  	_ =	shalt  }
0x73: {  	_ =	shalt  }
0x74: {  	_ =	shalt  }
0x75: {  	_ =	shalt  }
0x76: {  	_ =	shalt  }
0x77: {  	_ =	shalt  }
0x78: {  	_ =	shalt  }
0x79: {  	_ =	shalt  }
0x7a: {  	_ =	shalt  }
0x7b: {  	_ =	shalt  }
0x7c: {  	_ =	shalt  }
0x7d: {  	_ =	shalt  }
0x7e: {  	_ =	shalt  }
0x7f: {  	_ =	shalt  }
0x80: {  	_ =	shalt  }
0x81: {  	_ =	shalt  }
0x82: {  	_ =	shalt  }
0x83: {  	_ =	shalt  }
0x84: {  	_ =	shalt  }
0x85: {  	_ =	shalt  }
0x86: {  	_ =	shalt  }
0x87: {  	_ =	shalt  }
.Lfunc_end0:
.L_simem_size_0:
called_computation.1_lowered:
.L_overlay_start_0:
0x88: {  	s2 =	sld [smem:$0x3FD9]  }
0x89: {  	s3 =	sld [smem:$0x3FFE];
	_ =	sdelay $0x1  }
0x8a: {  	s1 =	srdreg.scid  }
0x8b: {  	s0 =	sand.u32 $0x1, s1  }
0x8c: {  	s14 =	sshll.u32 s0, $0xA;
	s2 =	sadd.s32 s3, s2  }
0x8d: {  	s2 =	sadd.s32 s2, s14  }
0x8e: {  	[smem:$0x3FC6] =	sst s2  }
0x8f: {  	_ = 	snop  }
0x90: {  	s2 =	sld [smem:$0x3FD0];
	_ =	sdelay $0x2  }
0x91: {  	s4 =	simm.s32 $0xA;
	s5 =	simm.s32 $0x10;
	s15 =	sld [smem:$0x3FC8]  }
0x92: {  	[smem:s5], [sflag:s4] =	dma.local [hbm:s2], $0x1  }
0x93: {  	_ =	swait.eq [sflag:s4], $0x1  }
0x94: {  	[sflag:s4] =	ssyncset.done $0x0  }
0x95: {  	s16 =	sld [smem:$0x10];
	[sflag:s4] =	ssyncadd.s32 $0xFFFFFFFF  }
0x96: {  	s17 =	sld [smem:$0x11];
	(tm) =	ssettm $0x1  }
0x97: {  	s18 =	sld [smem:$0x3FFB];
	_ =	sdelay $0x3  }
0x98: {  	_ =	strace s18  }
0x99: {  	s5 =	sld [smem:$0x3FFC];
	_ =	sdelay $0x3  }
0x9a: {  	_ =	strace s5  }
0x9b: {  	s5 =	sld [smem:$0x3FFD];
	_ =	sdelay $0x3  }
0x9c: {  	_ =	strace s5  }
0x9d: {  	_ =	strace $0x8FFFFFFF  }
0x9e: {  	s19 =	sld [smem:$0x3FDB];
	_ =	sdelay $0x1  }
0x9f: {  	s6 =	simm.s32 $_scs_section_size  }
0xa0: {  	s7 =	simm.s32 $_size__tile_overlayer_lowered;
	s8 =	simm.s32 $_tile_overlayer_lowered  }
0xa1: {  	s22 =	simm.s32 $0x1BFF;
	s21 =	sshll.u32 s8, $0x1;
	s5 =	sadd.s32 s6, s19  }
0xa2: {  	s9 =	simm.s32 $0x0;
	s20 =	sshll.u32 s7, $0x1;
	s7 =	sadd.s32 s21, s5  }
0xa3: {  	[timem:s9], [sflag:s22] =	dma.local [hbm:s7], s20  }
0xa4: {  	_ =	swait.ge [sflag:s22], s20  }
0xa5: {  	s6 =	ssub.s32 $0x0, s20;
	[sflag:s22] =	ssyncset.done $0x0  }
0xa6: {  	[sflag:s22] =	ssyncadd.s32 s6;
	_ =	sdelay $0x1  }
0xa7: {  	s23 =	simm.s32 $0x1B8B  }
0xa8: {  	_ =	swait.ge [sflag:s23], $0x1  }
0xa9: {  	[sflag:s23] =	ssyncset.done $0x0  }
0xaa: {  	s25 =	simm.s32 $0x1B8E;
	s24 =	sld [smem:$0x3FFE];
	[sflag:s23] =	ssyncadd.s32 $0xFFFFFFFF  }
0xab: {  	s26 =	simm.s32 $execute0_lowered;
	[smem:$0x3FD2] =	sst s25  }
0xac: {  	s7 =	sshll.u32 s26, $0x1;
	_ =	strace $0x80000049;
	[dreg:$0x1] =	wrdreg $0xFFFFFFFF  }
0xad: {  	s28 =	simm.s32 $_size_execute0_lowered;
	s5 =	sadd.s32 s5, s7;
	[dreg:$0x0] =	wrdreg $0x0  }
0xae: {  	s7 =	sshll.u32 s28, $0x1;
	[dreg:$0x2] =	wrdreg s5  }
0xaf: {  	[dreg:$0x3] =	wrdreg s7  }
0xb0: {  	[dreg:$0x4] =	wrdreg $0xC0  }
0xb1: {  	_ =	task [dreg:s9], $0x5FFFF  }
0xb2: {  	[dreg:$0x1] =	wrdreg $0xFFFFFFFF  }
0xb3: {  	[dreg:$0x0] =	wrdreg $0x60  }
0xb4: {  	[dreg:$0x2] =	wrdreg s15  }
0xb5: {  	[dreg:$0x3] =	wrdreg s17  }
0xb6: {  	[dreg:$0x4] =	wrdreg s24  }
0xb7: {  	[dreg:$0x5] =	wrdreg s16  }
0xb8: {  	[dreg:$0x6] =	wrdreg $0x102800  }
0xb9: {  	[dreg:$0x7] =	wrdreg $0x9  }
0xba: {  	_ =	task.clear_ibuf [dreg:s9], $0x8FFFF;
	_ =	strace $0x90000049  }
0xbb: {  	s29 =	simm.s32 $0x9;
	_ =	strace $0x8000004B  }
0xbc: {  	_ =	swait.ge [sflag:s29], $0x1  }
0xbd: {  	[sflag:s29] =	ssyncadd.s32 $0xFFFFFFFF  }
0xbe: {  	_ =	strace $0x9000004B  }
0xbf: {  	_ =	sfence  }
0xc0: {  	s30 =	sld [smem:$0x0];
	_ =	sdelay $0x2  }
0xc1: {  	s31 =	sshll.u32 s1, $0xD;
	s1 =	sshrl.u32 s1, $0x2  }
0xc2: {  	s3 =	sand.u32 $0x4000, s31;
	s1 =	sadd.s32 s1, s30  }
0xc3: {  	s0 =	sor.u32 s3, s0;
	s1 =	sshll.u32 s1, $0x11  }
0xc4: {  	s0 =	sor.u32 s1, s0  }
0xc5: {  	s0 =	sadd.s32 $0x8F2B, s0  }
0xc6: {  	[sflag:s0] =	ssyncadd.remote.s32 $0x1  }
0xc7: {  	_ =	sfence.sel $0xFFFF  }
0xc8: {  	[dreg:$0x0] =	wrdreg $0xFFFFFFFF;
	(pc) =	sbr.abs _section_cstart, $3  }
0xc9: {  	[dreg:$0x1] =	wrdreg $0xFFFFFFFF  }
0xca: {  	_ =	task.clear_ibuf [dreg:s9], $0x2FFFF;
	_ =	strace $0x9FFFFFFF  }
0xcb: {  	(tm) =	ssettm $0x7FFFFFFF  }
tec
execute0_lowered:
.L_overlay_start_1:
0x0: {  	(tag) =	ssettag $0x1  }
0x1: {  	s0 =	rddreg [dreg:$0x0]  }
0x2: {  	s4 =	rddreg [dreg:$0x1]  }
0x3: {  	s5 =	rddreg [dreg:$0x2]  }
0x4: {  	s7 =	rddreg [dreg:$0x3]  }
0x5: {  	s2 =	rddreg [dreg:$0x4];
	s3 =	srdreg.scid  }
0x6: {  	s1 =	rddreg [dreg:$0x5];
	s8 =	sand.u32 $0x1, s3;
	s3 =	simm.s32 $0x0  }
0x7: {  	s31 =	simm.s32 $0x900;
	[smem:$0x7FF] =	sst s3  }
0x8: {  	s12 =	simm.s32 $0x3100;
	_ =	strace $0x8000004A;
	[dreg:$0xa] =	wrdreg s31  }
0x9: {  	s13 =	simm.s32 $0x3900;
	[dreg:$0xf] =	wrdreg s12  }
0xa: {  	s14 =	simm.s32 $0x4100;
	[dreg:$0x10] =	wrdreg s13  }
0xb: {  	s15 =	simm.s32 $0x4900;
	[dreg:$0x11] =	wrdreg s14  }
0xc: {  	s6 =	stileid.u32;
	s16 =	simm.s32 $0x5100;
	[dreg:$0x12] =	wrdreg s15  }
0xd: {  	s17 =	simm.s32 $0x5900;
	s18 =	simm.s32 $0x6100;
	[dreg:$0x13] =	wrdreg s16  }
0xe: {  	s19 =	simm.s32 $0x6900;
	s20 =	simm.s32 $0x7100;
	[dreg:$0x14] =	wrdreg s17  }
0xf: {  	s21 =	simm.s32 $0x7900;
	s22 =	simm.s32 $0x8100;
	[dreg:$0x15] =	wrdreg s18  }
0x10: {  	s24 =	simm.s32 $0x8900;
	s25 =	simm.s32 $0x9100;
	[dreg:$0x16] =	wrdreg s19  }
0x11: {  	s26 =	simm.s32 $0x9900;
	s28 =	simm.s32 $0xA100;
	[dreg:$0x17] =	wrdreg s20  }
0x12: {  	s9 =	sshll.u32 s6, $0x9;
	p0 =	sne.s32 s6, $0x0;
	[dreg:$0x18] =	wrdreg s21  }
0x13: {  	s6 =	simm.s32 $0x2;
	s10 =	sshll.u32 s8, $0x8;
	[dreg:$0x19] =	wrdreg s22  }
0x14: {  	s11 =	sshll.u32 s8, $0x4;
	s23 =	ssub.s32 $0x2, s8;
	[dreg:$0x1a] =	wrdreg s24  }
0x15: {  	s9 =	sor.u32 s10, s9;
	s5 =	sadd.s32 s11, s5;
	[dreg:$0x1b] =	wrdreg s25  }
0x16: {  	s11 =	simm.s32 $0x2900;
	s8 =	sshrl.u32 s23, $0x1;
	[dreg:$0x1c] =	wrdreg s26  }
0x17: {  	[dreg:$0x1d] =	wrdreg s28;
	s31 =	simm.s32 $0xB900;
	s12 =	simm.s32 $0xE100  }
0x18: {  	s13 =	simm.s32 $0xE900;
	s14 =	simm.s32 $0xF100;
	[dreg:$0xe] =	wrdreg s11  }
0x19: {  	s10 =	sshrl.u32 s9, $0x3;
	s30 =	sadd.s32 $0xE00, s5;
	[smem:$0x7FD] =	sst s31  }
0x1a: {  	s9 =	sshll.u32 s9, $0x5;
	s5 =	sadd.s32 $0x1600, s5;
	[dreg:$0x8] =	wrdreg s30  }
0x1b: {  	s15 =	simm.s32 $0xF900;
	s7 =	sadd.s32 s7, s9;
	[dreg:$0x9] =	wrdreg s5  }
0x1c: {  	s16 =	simm.s32 $0x1;
	s9 =	simm.s32 $0x1900;
	[dreg:$0x6] =	wrdreg s7  }
0x1d: {  	s4 =	sadd.s32 s4, s10;
	s10 =	simm.s32 $0x2100;
	[dreg:$0xc] =	wrdreg s9  }
0x1e: {  	s17 =	simm.s32 $0x10100;
	s30 =	simm.s32 $0xB100;
	[dreg:$0xd] =	wrdreg s10  }
0x1f: {  	s18 =	simm.s32 $0x10180;
	s29 =	sadd.s32 $0x10, s4;
	[dreg:$0x1f] =	wrdreg s30  }
0x20: {  	s11 =	simm.s32 $0xD900;
	s7 =	simm.s32 $0x1100;
	[dreg:$0x7] =	wrdreg s29  }
0x21: {  	v2 =	vlaneseq.u32;
	s9 =	simm.s32 $0xC900;
	s10 =	simm.s32 $0xD100;
	[dreg:$0xb] =	wrdreg s7  }
0x22: {  	vm0 =	vmmov $0xffff;
	v3 =	vimm.f32 $1.000000000e+00;
	v1 =	vshrl.u32 v2, $0x3;
	s7 =	ssub.s32 s23, s8;
	s29 =	simm.s32 $0xA900;
	s8 =	simm.s32 $0xC100  }
0x23: {  	v0 =	vand.u32 $0x7, v2;
	v2 =	vor.u32 $0x8, v2;
	v1 =	vmul.u32 $0x8, v1;
	s5 =	smax.u32 s7, $0x1;
	[dreg:$0x1e] =	wrdreg s29;
	s7 =	simm.s32 $0x100  }
.LBB2_1:
0x24: {  	[tilespmem:s3], [sflag:$0x2] =	stream.linear.gather [hbm4b:s4+s3], $0x100, $0x38;
	[tilespmem:$0x10480] =	vst v63  }
0x25: {  	_ =	swait.ge [sflag:s6], $0x100  }
0x26: {  	[sflag:s6] =	ssyncset.done $0x0  }
0x27: {  	[sflag:s6] =	ssyncadd.s32 $0xFFFFFF00  }
0x28: {  	v4 =	vld [tilespmem:$0x0];
	_ =	sdelay $0x4  }
0x29: {  	v5 =	vshll.u32 v4, $0x1  }
0x2a: {  	v4 =	vand.u32 $0x7, v4;
	v5 =	vand.u32 $0xFFFFFFF0, v5  }
0x2b: {  	v4 =	vor.u32 v4, v5  }
0x2c: {  	v5 =	vperm.xlane v4, v0;
	_ =	sdelay $0x1  }
0x2d: {  	v4 =	vperm.xlane v4, v2;
	v5 =	vadd.s32 v1, v5;
	_ =	sdelay $0x1  }
0x2e: {  	v4 =	vadd.s32 v1, v4;
	_ =	sdelay $0x2  }
0x2f: {  	[tilespmem:s7], [sflag:$0x1] =	stream.indirect_vreg.gather [hbm4b:s0+s3], $0x80, v5, vm0, $0xb8;
	[tilespmem:$0x10480] =	vst v63  }
0x30: {  	s19 =	rddreg [dreg:$0xa]  }
0x31: {  	[tilespmem:s19], [sflag:$0x1] =	stream.indirect_vreg.gather [hbm4b:s0+s3], $0x80, v4, vm0, $0xb8;
	[tilespmem:$0x10480] =	vst v63  }
0x32: {  	v4 =	vld [tilespmem:$0x10];
	_ =	sdelay $0x4  }
0x33: {  	v5 =	vshll.u32 v4, $0x1  }
0x34: {  	v4 =	vand.u32 $0x7, v4;
	v5 =	vand.u32 $0xFFFFFFF0, v5  }
0x35: {  	v4 =	vor.u32 v4, v5  }
0x36: {  	v5 =	vperm.xlane v4, v0;
	_ =	sdelay $0x1  }
0x37: {  	v4 =	vperm.xlane v4, v2;
	v5 =	vadd.s32 v1, v5;
	_ =	sdelay $0x1  }
0x38: {  	v4 =	vadd.s32 v1, v4;
	_ =	sdelay $0x1  }
0x39: {  	s29 =	rddreg [dreg:$0xb]  }
0x3a: {  	[tilespmem:s29], [sflag:$0x1] =	stream.indirect_vreg.gather [hbm4b:s0+s3], $0x80, v5, vm0, $0xb8;
	[tilespmem:$0x10480] =	vst v63  }
0x3b: {  	s20 =	rddreg [dreg:$0xc]  }
0x3c: {  	[tilespmem:s20], [sflag:$0x1] =	stream.indirect_vreg.gather [hbm4b:s0+s3], $0x80, v4, vm0, $0xb8;
	[tilespmem:$0x10480] =	vst v63  }
0x3d: {  	v4 =	vld [tilespmem:$0x20];
	_ =	sdelay $0x4  }
0x3e: {  	v5 =	vshll.u32 v4, $0x1  }
0x3f: {  	v4 =	vand.u32 $0x7, v4;
	v5 =	vand.u32 $0xFFFFFFF0, v5  }
0x40: {  	v4 =	vor.u32 v4, v5  }
0x41: {  	v5 =	vperm.xlane v4, v0;
	_ =	sdelay $0x1  }
0x42: {  	v4 =	vperm.xlane v4, v2;
	v5 =	vadd.s32 v1, v5;
	_ =	sdelay $0x1  }
0x43: {  	v4 =	vadd.s32 v1, v4;
	_ =	sdelay $0x1  }
0x44: {  	s30 =	rddreg [dreg:$0xd]  }
0x45: {  	[tilespmem:s30], [sflag:$0x1] =	stream.indirect_vreg.gather [hbm4b:s0+s3], $0x80, v5, vm0, $0xb8;
	[tilespmem:$0x10480] =	vst v63  }
0x46: {  	s31 =	rddreg [dreg:$0xe]  }
0x47: {  	[tilespmem:s31], [sflag:$0x1] =	stream.indirect_vreg.gather [hbm4b:s0+s3], $0x80, v4, vm0, $0xb8;
	[tilespmem:$0x10480] =	vst v63  }
0x48: {  	v4 =	vld [tilespmem:$0x30];
	_ =	sdelay $0x4  }
0x49: {  	v5 =	vshll.u32 v4, $0x1  }
0x4a: {  	v4 =	vand.u32 $0x7, v4;
	v5 =	vand.u32 $0xFFFFFFF0, v5  }
0x4b: {  	v4 =	vor.u32 v4, v5  }
0x4c: {  	v5 =	vperm.xlane v4, v0;
	_ =	sdelay $0x1  }
0x4d: {  	v4 =	vperm.xlane v4, v2;
	v5 =	vadd.s32 v1, v5;
	_ =	sdelay $0x1  }
0x4e: {  	v4 =	vadd.s32 v1, v4;
	_ =	sdelay $0x1  }
0x4f: {  	s21 =	rddreg [dreg:$0xf]  }
0x50: {  	[tilespmem:s21], [sflag:$0x1] =	stream.indirect_vreg.gather [hbm4b:s0+s3], $0x80, v5, vm0, $0xb8;
	[tilespmem:$0x10480] =	vst v63  }
0x51: {  	s22 =	rddreg [dreg:$0x10]  }
0x52: {  	[tilespmem:s22], [sflag:$0x1] =	stream.indirect_vreg.gather [hbm4b:s0+s3], $0x80, v4, vm0, $0xb8;
	[tilespmem:$0x10480] =	vst v63  }
0x53: {  	v4 =	vld [tilespmem:$0x40];
	_ =	sdelay $0x4  }
0x54: {  	v5 =	vshll.u32 v4, $0x1  }
0x55: {  	v4 =	vand.u32 $0x7, v4;
	v5 =	vand.u32 $0xFFFFFFF0, v5  }
0x56: {  	v4 =	vor.u32 v4, v5  }
0x57: {  	v5 =	vperm.xlane v4, v0;
	_ =	sdelay $0x1  }
0x58: {  	v4 =	vperm.xlane v4, v2;
	v5 =	vadd.s32 v1, v5;
	_ =	sdelay $0x1  }
0x59: {  	v4 =	vadd.s32 v1, v4;
	_ =	sdelay $0x1  }
0x5a: {  	s23 =	rddreg [dreg:$0x11]  }
0x5b: {  	[tilespmem:s23], [sflag:$0x1] =	stream.indirect_vreg.gather [hbm4b:s0+s3], $0x80, v5, vm0, $0xb8;
	[tilespmem:$0x10480] =	vst v63  }
0x5c: {  	s24 =	rddreg [dreg:$0x12]  }
0x5d: {  	[tilespmem:s24], [sflag:$0x1] =	stream.indirect_vreg.gather [hbm4b:s0+s3], $0x80, v4, vm0, $0xb8;
	[tilespmem:$0x10480] =	vst v63  }
0x5e: {  	v4 =	vld [tilespmem:$0x50];
	_ =	sdelay $0x4  }
0x5f: {  	v5 =	vshll.u32 v4, $0x1  }
0x60: {  	v4 =	vand.u32 $0x7, v4;
	v5 =	vand.u32 $0xFFFFFFF0, v5  }
0x61: {  	v4 =	vor.u32 v4, v5  }
0x62: {  	v5 =	vperm.xlane v4, v0;
	_ =	sdelay $0x1  }
0x63: {  	v4 =	vperm.xlane v4, v2;
	v5 =	vadd.s32 v1, v5;
	_ =	sdelay $0x1  }
0x64: {  	v4 =	vadd.s32 v1, v4;
	_ =	sdelay $0x1  }
0x65: {  	s25 =	rddreg [dreg:$0x13]  }
0x66: {  	[tilespmem:s25], [sflag:$0x1] =	stream.indirect_vreg.gather [hbm4b:s0+s3], $0x80, v5, vm0, $0xb8;
	[tilespmem:$0x10480] =	vst v63  }
0x67: {  	s26 =	rddreg [dreg:$0x14]  }
0x68: {  	[tilespmem:s26], [sflag:$0x1] =	stream.indirect_vreg.gather [hbm4b:s0+s3], $0x80, v4, vm0, $0xb8;
	[tilespmem:$0x10480] =	vst v63  }
0x69: {  	v4 =	vld [tilespmem:$0x60];
	_ =	sdelay $0x4  }
0x6a: {  	v5 =	vshll.u32 v4, $0x1  }
0x6b: {  	v4 =	vand.u32 $0x7, v4;
	v5 =	vand.u32 $0xFFFFFFF0, v5  }
0x6c: {  	v4 =	vor.u32 v4, v5  }
0x6d: {  	v5 =	vperm.xlane v4, v0;
	_ =	sdelay $0x1  }
0x6e: {  	v4 =	vperm.xlane v4, v2;
	v5 =	vadd.s32 v1, v5;
	_ =	sdelay $0x1  }
0x6f: {  	v4 =	vadd.s32 v1, v4;
	_ =	sdelay $0x1  }
0x70: {  	s28 =	rddreg [dreg:$0x15]  }
0x71: {  	[tilespmem:s28], [sflag:$0x1] =	stream.indirect_vreg.gather [hbm4b:s0+s3], $0x80, v5, vm0, $0xb8;
	[tilespmem:$0x10480] =	vst v63  }
0x72: {  	s29 =	rddreg [dreg:$0x16]  }
0x73: {  	[tilespmem:s29], [sflag:$0x1] =	stream.indirect_vreg.gather [hbm4b:s0+s3], $0x80, v4, vm0, $0xb8;
	[tilespmem:$0x10480] =	vst v63  }
0x74: {  	v4 =	vld [tilespmem:$0x70];
	_ =	sdelay $0x4  }
0x75: {  	v5 =	vshll.u32 v4, $0x1  }
0x76: {  	v4 =	vand.u32 $0x7, v4;
	v5 =	vand.u32 $0xFFFFFFF0, v5  }
0x77: {  	v4 =	vor.u32 v4, v5  }
0x78: {  	v5 =	vperm.xlane v4, v0;
	_ =	sdelay $0x1  }
0x79: {  	v4 =	vperm.xlane v4, v2;
	v5 =	vadd.s32 v1, v5;
	_ =	sdelay $0x1  }
0x7a: {  	v4 =	vadd.s32 v1, v4;
	_ =	sdelay $0x1  }
0x7b: {  	s30 =	rddreg [dreg:$0x17]  }
0x7c: {  	[tilespmem:s30], [sflag:$0x1] =	stream.indirect_vreg.gather [hbm4b:s0+s3], $0x80, v5, vm0, $0xb8;
	[tilespmem:$0x10480] =	vst v63  }
0x7d: {  	s31 =	rddreg [dreg:$0x18]  }
0x7e: {  	[tilespmem:s31], [sflag:$0x1] =	stream.indirect_vreg.gather [hbm4b:s0+s3], $0x80, v4, vm0, $0xb8;
	[tilespmem:$0x10480] =	vst v63  }
0x7f: {  	v4 =	vld [tilespmem:$0x80];
	_ =	sdelay $0x4  }
0x80: {  	v5 =	vshll.u32 v4, $0x1  }
0x81: {  	v4 =	vand.u32 $0x7, v4;
	v5 =	vand.u32 $0xFFFFFFF0, v5  }
0x82: {  	v4 =	vor.u32 v4, v5  }
0x83: {  	v5 =	vperm.xlane v4, v0;
	_ =	sdelay $0x1  }
0x84: {  	v4 =	vperm.xlane v4, v2;
	v5 =	vadd.s32 v1, v5;
	_ =	sdelay $0x1  }
0x85: {  	v4 =	vadd.s32 v1, v4;
	_ =	sdelay $0x1  }
0x86: {  	s21 =	rddreg [dreg:$0x19]  }
0x87: {  	[tilespmem:s21], [sflag:$0x1] =	stream.indirect_vreg.gather [hbm4b:s0+s3], $0x80, v5, vm0, $0xb8;
	[tilespmem:$0x10480] =	vst v63  }
0x88: {  	s22 =	rddreg [dreg:$0x1a]  }
0x89: {  	[tilespmem:s22], [sflag:$0x1] =	stream.indirect_vreg.gather [hbm4b:s0+s3], $0x80, v4, vm0, $0xb8;
	[tilespmem:$0x10480] =	vst v63  }
0x8a: {  	v4 =	vld [tilespmem:$0x90];
	_ =	sdelay $0x4  }
0x8b: {  	v5 =	vshll.u32 v4, $0x1  }
0x8c: {  	v4 =	vand.u32 $0x7, v4;
	v5 =	vand.u32 $0xFFFFFFF0, v5  }
0x8d: {  	v4 =	vor.u32 v4, v5  }
0x8e: {  	v5 =	vperm.xlane v4, v0;
	_ =	sdelay $0x1  }
0x8f: {  	v4 =	vperm.xlane v4, v2;
	v5 =	vadd.s32 v1, v5;
	_ =	sdelay $0x1  }
0x90: {  	v4 =	vadd.s32 v1, v4;
	_ =	sdelay $0x1  }
0x91: {  	s23 =	rddreg [dreg:$0x1b]  }
0x92: {  	[tilespmem:s23], [sflag:$0x1] =	stream.indirect_vreg.gather [hbm4b:s0+s3], $0x80, v5, vm0, $0xb8;
	[tilespmem:$0x10480] =	vst v63  }
0x93: {  	s24 =	rddreg [dreg:$0x1c]  }
0x94: {  	[tilespmem:s24], [sflag:$0x1] =	stream.indirect_vreg.gather [hbm4b:s0+s3], $0x80, v4, vm0, $0xb8;
	[tilespmem:$0x10480] =	vst v63  }
0x95: {  	v4 =	vld [tilespmem:$0xA0];
	_ =	sdelay $0x4  }
0x96: {  	v5 =	vshll.u32 v4, $0x1  }
0x97: {  	v4 =	vand.u32 $0x7, v4;
	v5 =	vand.u32 $0xFFFFFFF0, v5  }
0x98: {  	v4 =	vor.u32 v4, v5  }
0x99: {  	v5 =	vperm.xlane v4, v0;
	_ =	sdelay $0x1  }
0x9a: {  	v4 =	vperm.xlane v4, v2;
	v5 =	vadd.s32 v1, v5;
	_ =	sdelay $0x1  }
0x9b: {  	v4 =	vadd.s32 v1, v4;
	_ =	sdelay $0x1  }
0x9c: {  	s25 =	rddreg [dreg:$0x1d]  }
0x9d: {  	[tilespmem:s25], [sflag:$0x1] =	stream.indirect_vreg.gather [hbm4b:s0+s3], $0x80, v5, vm0, $0xb8;
	[tilespmem:$0x10480] =	vst v63  }
0x9e: {  	s26 =	rddreg [dreg:$0x1e]  }
0x9f: {  	[tilespmem:s26], [sflag:$0x1] =	stream.indirect_vreg.gather [hbm4b:s0+s3], $0x80, v4, vm0, $0xb8;
	[tilespmem:$0x10480] =	vst v63  }
0xa0: {  	v4 =	vld [tilespmem:$0xB0];
	_ =	sdelay $0x4  }
0xa1: {  	v5 =	vshll.u32 v4, $0x1  }
0xa2: {  	v4 =	vand.u32 $0x7, v4;
	v5 =	vand.u32 $0xFFFFFFF0, v5  }
0xa3: {  	v4 =	vor.u32 v4, v5  }
0xa4: {  	v5 =	vperm.xlane v4, v0;
	_ =	sdelay $0x1  }
0xa5: {  	v4 =	vperm.xlane v4, v2;
	v5 =	vadd.s32 v1, v5;
	_ =	sdelay $0x1  }
0xa6: {  	v4 =	vadd.s32 v1, v4  }
0xa7: {  	s28 =	rddreg [dreg:$0x1f]  }
0xa8: {  	s29 =	sld [smem:$0x7FD]  }
0xa9: {  	[tilespmem:s28], [sflag:$0x1] =	stream.indirect_vreg.gather [hbm4b:s0+s3], $0x80, v5, vm0, $0xb8;
	[tilespmem:$0x10480] =	vst v63  }
0xaa: {  	_ = 	snop  }
0xab: {  	[tilespmem:s29], [sflag:$0x1] =	stream.indirect_vreg.gather [hbm4b:s0+s3], $0x80, v4, vm0, $0xb8;
	[tilespmem:$0x10480] =	vst v63  }
0xac: {  	v4 =	vld [tilespmem:$0xC0];
	_ =	sdelay $0x4  }
0xad: {  	v5 =	vshll.u32 v4, $0x1  }
0xae: {  	v4 =	vand.u32 $0x7, v4;
	v5 =	vand.u32 $0xFFFFFFF0, v5  }
0xaf: {  	v4 =	vor.u32 v4, v5  }
0xb0: {  	v5 =	vperm.xlane v4, v0;
	_ =	sdelay $0x1  }
0xb1: {  	v4 =	vperm.xlane v4, v2;
	v5 =	vadd.s32 v1, v5;
	_ =	sdelay $0x1  }
0xb2: {  	v4 =	vadd.s32 v1, v4;
	_ =	sdelay $0x2  }
0xb3: {  	[tilespmem:s8], [sflag:$0x1] =	stream.indirect_vreg.gather [hbm4b:s0+s3], $0x80, v5, vm0, $0xb8;
	[tilespmem:$0x10480] =	vst v63  }
0xb4: {  	_ = 	snop  }
0xb5: {  	[tilespmem:s9], [sflag:$0x1] =	stream.indirect_vreg.gather [hbm4b:s0+s3], $0x80, v4, vm0, $0xb8;
	[tilespmem:$0x10480] =	vst v63  }
0xb6: {  	v4 =	vld [tilespmem:$0xD0];
	_ =	sdelay $0x4  }
0xb7: {  	v5 =	vshll.u32 v4, $0x1  }
0xb8: {  	v4 =	vand.u32 $0x7, v4;
	v5 =	vand.u32 $0xFFFFFFF0, v5  }
0xb9: {  	v4 =	vor.u32 v4, v5  }
0xba: {  	v5 =	vperm.xlane v4, v0;
	_ =	sdelay $0x1  }
0xbb: {  	v4 =	vperm.xlane v4, v2;
	v5 =	vadd.s32 v1, v5;
	_ =	sdelay $0x1  }
0xbc: {  	v4 =	vadd.s32 v1, v4;
	_ =	sdelay $0x2  }
0xbd: {  	[tilespmem:s10], [sflag:$0x1] =	stream.indirect_vreg.gather [hbm4b:s0+s3], $0x80, v5, vm0, $0xb8;
	[tilespmem:$0x10480] =	vst v63  }
0xbe: {  	_ = 	snop  }
0xbf: {  	[tilespmem:s11], [sflag:$0x1] =	stream.indirect_vreg.gather [hbm4b:s0+s3], $0x80, v4, vm0, $0xb8;
	[tilespmem:$0x10480] =	vst v63  }
0xc0: {  	v4 =	vld [tilespmem:$0xE0];
	_ =	sdelay $0x4  }
0xc1: {  	v5 =	vshll.u32 v4, $0x1  }
0xc2: {  	v4 =	vand.u32 $0x7, v4;
	v5 =	vand.u32 $0xFFFFFFF0, v5  }
0xc3: {  	v4 =	vor.u32 v4, v5  }
0xc4: {  	v5 =	vperm.xlane v4, v0;
	_ =	sdelay $0x1  }
0xc5: {  	v4 =	vperm.xlane v4, v2;
	v5 =	vadd.s32 v1, v5;
	_ =	sdelay $0x1  }
0xc6: {  	v4 =	vadd.s32 v1, v4;
	_ =	sdelay $0x2  }
0xc7: {  	[tilespmem:s12], [sflag:$0x1] =	stream.indirect_vreg.gather [hbm4b:s0+s3], $0x80, v5, vm0, $0xb8;
	[tilespmem:$0x10480] =	vst v63  }
0xc8: {  	_ = 	snop  }
0xc9: {  	[tilespmem:s13], [sflag:$0x1] =	stream.indirect_vreg.gather [hbm4b:s0+s3], $0x80, v4, vm0, $0xb8;
	[tilespmem:$0x10480] =	vst v63  }
0xca: {  	v4 =	vld [tilespmem:$0xF0];
	_ =	sdelay $0x4  }
0xcb: {  	v5 =	vshll.u32 v4, $0x1  }
0xcc: {  	v4 =	vand.u32 $0x7, v4;
	v5 =	vand.u32 $0xFFFFFFF0, v5  }
0xcd: {  	v4 =	vor.u32 v4, v5  }
0xce: {  	v5 =	vperm.xlane v4, v0;
	_ =	sdelay $0x1  }
0xcf: {  	v4 =	vperm.xlane v4, v2;
	v5 =	vadd.s32 v1, v5;
	_ =	sdelay $0x1  }
0xd0: {  	v4 =	vadd.s32 v1, v4;
	_ =	sdelay $0x2  }
0xd1: {  	[tilespmem:s14], [sflag:$0x1] =	stream.indirect_vreg.gather [hbm4b:s0+s3], $0x80, v5, vm0, $0xb8;
	[tilespmem:$0x10480] =	vst v63  }
0xd2: {  	_ = 	snop  }
0xd3: {  	[tilespmem:s15], [sflag:$0x1] =	stream.indirect_vreg.gather [hbm4b:s0+s3], $0x80, v4, vm0, $0xb8;
	[tilespmem:$0x10480] =	vst v63  }
0xd4: {  	_ =	swait.ge [sflag:s16], $0x10000  }
0xd5: {  	[sflag:s16] =	ssyncset.done $0x0  }
0xd6: {  	s30 =	rddreg [dreg:$0x6];
	[sflag:s16] =	ssyncadd.s32 $0xFFFF0000  }
0xd7: {  	[hbm4b:s30+s3] =	stream.linear.scatter [tilespmem:s7], [sflag:$0x2], $0x10000, $0x38;
	[tilespmem:$0x10480] =	vst v63  }
0xd8: {  	_ =	swait.ge [sflag:s6], $0x10000  }
0xd9: {  	[sflag:s6] =	ssyncset.done $0x0  }
0xda: {  	[sflag:s6] =	ssyncadd.s32 $0xFFFF0000  }
0xdb: {  	[tilespmem:s17], [sflag:$0x2] =	stream.linear.gather [hbm4b:s4+s3], $0x80, $0x38;
	[tilespmem:$0x10480] =	vst v63  }
0xdc: {  	_ =	swait.ge [sflag:s6], $0x80  }
0xdd: {  	[sflag:s6] =	ssyncset.done $0x0  }
0xde: {  	s31 =	rddreg [dreg:$0x7];
	[sflag:s6] =	ssyncadd.s32 $0xFFFFFF80  }
0xdf: {  	[tilespmem:s18], [sflag:$0x2] =	stream.linear.gather [hbm4b:s31+s3], $0x80, $0x38;
	[tilespmem:$0x10480] =	vst v63  }
0xe0: {  	_ =	swait.ge [sflag:s6], $0x80  }
0xe1: {  	[sflag:s6] =	ssyncset.done $0x0  }
0xe2: {  	[sflag:s6] =	ssyncadd.s32 $0xFFFFFF80  }
0xe3: {  	[tilespmem:$0x10200] =	vst v3  }
0xe4: {  	[tilespmem:$0x10210] =	vst v3  }
0xe5: {  	[tilespmem:$0x10220] =	vst v3  }
0xe6: {  	[tilespmem:$0x10230] =	vst v3  }
0xe7: {  	[tilespmem:$0x10240] =	vst v3  }
0xe8: {  	[tilespmem:$0x10250] =	vst v3  }
0xe9: {  	[tilespmem:$0x10260] =	vst v3  }
0xea: {  	s19 =	simm.s32 @p0 $0x80;
	[tilespmem:$0x10270] =	vst v3  }
0xeb: {  	s20 =	simm.s32 @p0 $0x10100;
	s21 =	simm.s32 @p0 $0x10200;
	[bflag:$0x0] =	sbarrier.arrive @p0 $0xFFFF  }
0xec: {  	[spmem:s2] =	stream.indirect.scatter.add.f32 @p0 [tilespmem:s21], [sflag:$0x2], $0x1, s20, s19, $0xb8;
	[tilespmem:$0x10480] =	vst v63  }
0xed: {  	s20 =	simm.s32 @p0 $0x2  }
0xee: {  	_ =	swait.ge @p0 [sflag:s20], $0x80  }
0xef: {  	[sflag:s20] =	ssyncset.done @p0 $0x0  }
0xf0: {  	s22 =	simm.s32 @p0 $0x10180;
	[sflag:s20] =	ssyncadd.s32 @p0 $0xFFFFFF80  }
0xf1: {  	[spmem:s2] =	stream.indirect.scatter.add.f32 @p0 [tilespmem:s21], [sflag:$0x2], $0x1, s22, s19, $0xb8;
	[tilespmem:$0x10480] =	vst v63  }
0xf2: {  	_ =	swait.ge @p0 [sflag:s20], $0x80  }
0xf3: {  	[sflag:s20] =	ssyncset.done @p0 $0x0  }
0xf4: {  	s23 =	simm.s32 @!p0 $0x20;
	[sflag:s20] =	ssyncadd.s32 @p0 $0xFFFFFF80  }
0xf5: {  	s24 =	simm.s32 @!p0 $0x1C02;
	s21 =	simm.s32 @!p0 $0x1;
	[bflag:$0x0] =	sbarrier.arrive @p0 $0xFFFF  }
0xf6: {  	s22 =	simm.s32 @!p0 $0x10;
	s20 =	sshrl.u32 @!p0 s2, $0x3;
	s19 =	rddreg [dreg:$0x8]  }
0xf7: {  	[spmem:s20@s22], [sflag:s24] =	dma.strided @!p0 [hbm:s19@s23], $0x400, s21, $0x10   }
0xf8: {  	s19 =	simm.s32 @!p0 $0x2  }
0xf9: {  	_ =	swait.ge @!p0 [sflag:s19], $0x400  }
0xfa: {  	[sflag:s19] =	ssyncset.done @!p0 $0x0  }
0xfb: {  	s25 =	simm.s32 @!p0 $0x80;
	[sflag:s19] =	ssyncadd.s32 @!p0 $0xFFFFFC00  }
0xfc: {  	s26 =	simm.s32 @!p0 $0x10100;
	s28 =	simm.s32 @!p0 $0x10200;
	[bflag:$0x0] =	sbarrier.arrive @!p0 $0xFFFF  }
0xfd: {  	[spmem:s2] =	stream.indirect.scatter.add.f32 @!p0 [tilespmem:s28], [sflag:$0x2], $0x1, s26, s25, $0xb8;
	[tilespmem:$0x10480] =	vst v63  }
0xfe: {  	_ =	swait.ge @!p0 [sflag:s19], $0x80  }
0xff: {  	[sflag:s19] =	ssyncset.done @!p0 $0x0  }
0x100: {  	s26 =	simm.s32 @!p0 $0x10180;
	[sflag:s19] =	ssyncadd.s32 @!p0 $0xFFFFFF80  }
0x101: {  	[spmem:s2] =	stream.indirect.scatter.add.f32 @!p0 [tilespmem:s28], [sflag:$0x2], $0x1, s26, s25, $0xb8;
	[tilespmem:$0x10480] =	vst v63  }
0x102: {  	_ =	swait.ge @!p0 [sflag:s19], $0x80  }
0x103: {  	[sflag:s19] =	ssyncset.done @!p0 $0x0  }
0x104: {  	s5 =	sadd.s32 $0xFFFFFFFF, s5;
	[sflag:s19] =	ssyncadd.s32 @!p0 $0xFFFFFF80  }
0x105: {  	p1 =	sne.s32 s5, $0x0;
	[bflag:$0x0] =	sbarrier.arrive @!p0 $0xFFFF  }
.Ltmp0:
0x106: {  	s25 =	rddreg [dreg:$0x9];
	(pc) =	sbr.rel @p1 .LBB2_1-.Ltmp0, $4  }
0x107: {  	[hbm:s25@s23], [sflag:s24] =	dma.strided @!p0 [spmem:s20@s22], $0x400, s21, $0x10   }
0x108: {  	_ =	swait.ge @!p0 [sflag:s19], $0x400  }
0x109: {  	[sflag:s19] =	ssyncset.done @!p0 $0x0  }
0x10a: {  	[sflag:s19] =	ssyncadd.s32 @!p0 $0xFFFFFC00  }
0x10b: {  	_ =	sfence.sel $0x180000  }
0x10c: {  	[bflag:$0x0] =	sbarrier.arrive $0xFFFF  }
0x10d: {  	_ =	strace $0x9000004A  }
0x10e: {  	s0 =	sadd.s32 @!p0 $0x100000, s1;
	[bflag:$0x2] =	sbarrier.arrive $0xFFFF  }
0x10f: {  	[sflag:s0] =	ssyncadd.tile.s32 @!p0 $0x1;
	_ =	shalt  }
.Lfunc_end2:
_tile_overlayer_lowered:
.L_overlay_start_2:
0x110: {  	(tag) =	ssettag $0x2  }
0x111: {  	s0 =	rddreg [dreg:$0x0];
	s2 =	stileid.u32  }
0x112: {  	s1 =	rddreg [dreg:$0x1];
	p0 =	sne.s32 s2, $0x0  }
0x113: {  	s3 =	rddreg [dreg:$0x2];
	[bflag:$0x3] =	sbarrier.arrive $0xFFFF;
	s2 =	simm.s32 @!p0 $0x1C02  }
0x114: {  	[timem:s3], [sflag:s2] =	dma.local @!p0 [hbm:s0], s1  }
0x115: {  	s0 =	simm.s32 @!p0 $0x2  }
0x116: {  	_ =	swait.ge @!p0 [sflag:s0], s1  }
0x117: {  	s1 =	ssub.s32 @!p0 $0x0, s1;
	[sflag:s0] =	ssyncset.done @!p0 $0x0  }
0x118: {  	[sflag:s0] =	ssyncadd.s32 @!p0 s1  }
0x119: {  	[bflag:$0x3] =	sbarrier.arrive $0xFFFF  }
0x11a: {  	_ =	shalt  }

</sc_bundles>
